<compile_context>
chip_gen: v7x
topology: tpu7x:2x2x1
jax: 0.10.2.dev20260603
libtpu: 0.0.44.dev20260713+nightly
codegen_flags: <defaults>
</compile_context>

<pallas_src>
import functools

import jax
import jax.numpy as jnp
from jax import lax
from jax.experimental import pallas as pl
from jax.experimental.pallas import tpu as pltpu
from jax.experimental.pallas import tpu_sc as plsc

B = 4096
L = 50
LP = 56
WS = 64
FS = 16
NC = 2
NS = 16
NW = NC * NS
BPW = B // NW
RPW = BPW * LP
CB = 2
CH = CB * LP
NCHUNK = BPW // CB
BB = 128


def _sc_gather(Wv, pf1, pf2, xi, li, ri, lei, rei):
    mesh = plsc.VectorSubcoreMesh(core_axis_name="c", subcore_axis_name="s")

    @functools.partial(
        pl.kernel,
        mesh=mesh,
        out_type=(
            jax.ShapeDtypeStruct((B * LP, 128), jnp.float32),
            jax.ShapeDtypeStruct((B, 128), jnp.float32),
        ),
        scratch_types=dict(
            xi_v=pltpu.VMEM((NCHUNK, CH), jnp.int32),
            li_v=pltpu.VMEM((NCHUNK, CH), jnp.int32),
            ri_v=pltpu.VMEM((NCHUNK, CH), jnp.int32),
            le_v=pltpu.VMEM((BPW,), jnp.int32),
            re_v=pltpu.VMEM((BPW,), jnp.int32),
            xrow=pltpu.VMEM((3, CH, WS), jnp.float32),
            ldrow=pltpu.VMEM((3, CH, FS), jnp.float32),
            rdrow=pltpu.VMEM((3, CH, FS), jnp.float32),
            lerow=pltpu.VMEM((BPW, WS), jnp.float32),
            rerow=pltpu.VMEM((BPW, WS), jnp.float32),
            gsem=pltpu.SemaphoreType.DMA((3,)),
            wsem=pltpu.SemaphoreType.DMA((3,)),
            esem=pltpu.SemaphoreType.DMA,
        ),
        compiler_params=pltpu.CompilerParams(use_tc_tiling_on_sc=False),
    )
    def k(Wv_h, pf1_h, pf2_h, xi_h, li_h, ri_h, lei_h, rei_h,
          a_h, e_h,
          xi_v, li_v, ri_v, le_v, re_v,
          xrow, ldrow, rdrow, lerow, rerow, gsem, wsem, esem):
        wid = lax.axis_index("s") * NC + lax.axis_index("c")
        r0 = wid * RPW
        b0 = wid * BPW
        pltpu.sync_copy(xi_h.at[wid], xi_v)
        pltpu.sync_copy(li_h.at[wid], li_v)
        pltpu.sync_copy(ri_h.at[wid], ri_v)
        pltpu.sync_copy(lei_h.at[pl.ds(b0, BPW)], le_v)
        pltpu.sync_copy(rei_h.at[pl.ds(b0, BPW)], re_v)

        pltpu.async_copy(Wv_h.at[le_v], lerow, esem)
        pltpu.async_copy(Wv_h.at[re_v], rerow, esem)
        pltpu.make_async_copy(Wv_h.at[le_v], lerow, esem).wait()
        pltpu.make_async_copy(Wv_h.at[re_v], rerow, esem).wait()
        pltpu.async_copy(lerow, e_h.at[pl.ds(b0, BPW), pl.ds(0, WS)], esem)
        pltpu.async_copy(rerow, e_h.at[pl.ds(b0, BPW), pl.ds(WS, WS)], esem)

        def gather_descs(j, p):
            return (
                pltpu.make_async_copy(
                    Wv_h.at[xi_v.at[j]], xrow.at[p], gsem.at[p]),
                pltpu.make_async_copy(
                    pf1_h.at[li_v.at[j]], ldrow.at[p], gsem.at[p]),
                pltpu.make_async_copy(
                    pf2_h.at[ri_v.at[j]], rdrow.at[p], gsem.at[p]),
            )

        def write_descs(j, p):
            w0 = r0 + j * CH
            return (
                pltpu.make_async_copy(
                    xrow.at[p], a_h.at[pl.ds(w0, CH), pl.ds(0, WS)],
                    wsem.at[p]),
                pltpu.make_async_copy(
                    ldrow.at[p], a_h.at[pl.ds(w0, CH), pl.ds(WS, FS)],
                    wsem.at[p]),
                pltpu.make_async_copy(
                    rdrow.at[p], a_h.at[pl.ds(w0, CH), pl.ds(WS + FS, FS)],
                    wsem.at[p]),
            )

        for d in gather_descs(0, 0):
            d.start()

        @pl.loop(0, NCHUNK)
        def _chunk(j):
            p = lax.rem(j, 3)
            pn = lax.rem(j + 1, 3)

            @pl.when(j + 1 < NCHUNK)
            def _prefetch():
                @pl.when(j >= 2)
                def _drain_old_writes():
                    for d in write_descs(j - 2, pn):
                        d.wait()
                for d in gather_descs(j + 1, pn):
                    d.start()

            for d in gather_descs(j, p):
                d.wait()
            for d in write_descs(j, p):
                d.start()

        for d in write_descs(NCHUNK - 2, (NCHUNK - 2) % 3):
            d.wait()
        for d in write_descs(NCHUNK - 1, (NCHUNK - 1) % 3):
            d.wait()
        pltpu.make_async_copy(lerow, e_h.at[pl.ds(b0, BPW), pl.ds(0, WS)], esem).wait()
        pltpu.make_async_copy(rerow, e_h.at[pl.ds(b0, BPW), pl.ds(WS, WS)], esem).wait()

    return k(Wv, pf1, pf2, xi, li, ri, lei, rei)


def _tc_finish(a3, e):
    def body(a_ref, e_ref, xp_ref, xe_ref):
        a = a_ref[:, :L, :]
        ent = e_ref[...]
        xp_ref[...] = a[:, :, :96]
        e1 = jnp.broadcast_to(ent[:, None, 0:WS], (BB, L, WS))
        e2 = jnp.broadcast_to(ent[:, None, WS:2 * WS], (BB, L, WS))
        xe_ref[...] = jnp.concatenate([a[:, :, 0:WS], e1, e2], axis=-1)

    return pl.pallas_call(
        body,
        out_shape=(
            jax.ShapeDtypeStruct((B, L, 96), jnp.float32),
            jax.ShapeDtypeStruct((B, L, 192), jnp.float32),
        ),
        grid=(B // BB,),
        in_specs=[
            pl.BlockSpec((BB, LP, 128), lambda i: (i, 0, 0)),
            pl.BlockSpec((BB, 128), lambda i: (i, 0)),
        ],
        out_specs=(
            pl.BlockSpec((BB, L, 96), lambda i: (i, 0, 0)),
            pl.BlockSpec((BB, L, 192), lambda i: (i, 0, 0)),
        ),
    )(a3, e)


def _pad_idx(v):
    v = v.astype(jnp.int32).reshape(B, L)
    return jnp.concatenate([v, v[:, :LP - L]], axis=1).reshape(NW, NCHUNK, CH)


def kernel(Wv, pf1, pf2, x, ldist, rdist, leftEnt, rightEnt):
    xi = _pad_idx(x)
    li = _pad_idx(ldist)
    ri = _pad_idx(rdist)
    lei = leftEnt.astype(jnp.int32).reshape(B)
    rei = rightEnt.astype(jnp.int32).reshape(B)
    a, e = _sc_gather(Wv, pf1, pf2, xi, li, ri, lei, rei)
    xp, xe = _tc_finish(a.reshape(B, LP, 128), e)
    return (xp[:, None], xe)

# --- scband reference (transcript-rebuilt; emitter-appended) ---
"""Pipeline reference for scband-get-embeddings-89309549953145 (READ-ONLY COPY).

The authoritative reference and input builder live on the scoring server;
editing this copy changes nothing except your own understanding.
"""

import jax, jax.numpy as jnp
import numpy as np

WORD_LEN = 100000
WORD_SIZE = 64
FEAT_LEN = 1000
FEAT_SIZE = 16
B = 4096
L = 50


def setup_inputs(seed: int = 0) -> dict:
    key = jax.random.key(seed)
    ks = jax.random.split(key, 8)
    Wv = jax.random.normal(ks[0], (WORD_LEN, WORD_SIZE), dtype=jnp.float32) * 0.1
    pf1 = jax.random.normal(ks[1], (FEAT_LEN, FEAT_SIZE), dtype=jnp.float32) * 0.1
    pf2 = jax.random.normal(ks[2], (FEAT_LEN, FEAT_SIZE), dtype=jnp.float32) * 0.1
    x = jax.random.randint(ks[3], (B, L), 0, WORD_LEN)
    ldist = jax.random.randint(ks[4], (B, L), 0, FEAT_LEN)
    rdist = jax.random.randint(ks[5], (B, L), 0, FEAT_LEN)
    leftEnt = jax.random.randint(ks[6], (B,), 0, WORD_LEN)
    rightEnt = jax.random.randint(ks[7], (B,), 0, WORD_LEN)
    return {"Wv": Wv, "pf1": pf1, "pf2": pf2, "x": x, "ldist": ldist,
            "rdist": rdist, "leftEnt": leftEnt, "rightEnt": rightEnt}


def reference(Wv, pf1, pf2, x, ldist, rdist, leftEnt, rightEnt):
    # x_embedding / ldist_embedding / rdist_embedding lookups (gathers)
    x_embed = jnp.take(Wv, x, axis=0)            # [B, L, word_size]
    ldist_embed = jnp.take(pf1, ldist, axis=0)   # [B, L, feature_size]
    rdist_embed = jnp.take(pf2, rdist, axis=0)   # [B, L, feature_size]
    # word_ent_embedding: lookup entity words, unsqueeze(1), expand to x_embed shape
    ent1 = jnp.take(Wv, leftEnt, axis=0)[:, None, :]   # [B, 1, word_size]
    ent2 = jnp.take(Wv, rightEnt, axis=0)[:, None, :]  # [B, 1, word_size]
    ent1 = jnp.broadcast_to(ent1, x_embed.shape)
    ent2 = jnp.broadcast_to(ent2, x_embed.shape)
    xEnt_embed = jnp.concatenate([ent1, ent2], axis=-1)  # [B, L, 2*word_size]
    Xp = jnp.concatenate([x_embed, ldist_embed, rdist_embed], axis=-1)  # [B, L, ws+2*fs]
    Xe = jnp.concatenate([x_embed, xEnt_embed], axis=-1)                # [B, L, 3*ws]
    return (Xp[:, None, :, :], Xe)

if __name__ == "__main__":
    import jax
    _d = setup_inputs()
    print(jax.jit(kernel)(*tuple(_d.values())))

</pallas_src>

<mosaic_0001>
#map = affine_map<(d0, d1) -> (0, 0)>
#map1 = affine_map<(d0, d1) -> (0, 0, 0)>
#map2 = affine_map<(d0, d1) -> (0)>
module attributes {stable_mosaic.version = 14 : i64} {
  func.func @k(%arg0: i32, %arg1: i32, %arg2: memref<100000x64xf32, #tpu.memory_space<hbm>>, %arg3: memref<1000x16xf32, #tpu.memory_space<hbm>>, %arg4: memref<1000x16xf32, #tpu.memory_space<hbm>>, %arg5: memref<32x64x112xi32, #tpu.memory_space<hbm>>, %arg6: memref<32x64x112xi32, #tpu.memory_space<hbm>>, %arg7: memref<32x64x112xi32, #tpu.memory_space<hbm>>, %arg8: memref<4096xi32, #tpu.memory_space<hbm>>, %arg9: memref<4096xi32, #tpu.memory_space<hbm>>, %arg10: memref<229376x128xf32, #tpu.memory_space<hbm>>, %arg11: memref<4096x128xf32, #tpu.memory_space<hbm>>, %arg12: memref<!tpu.dma_semaphore, #tpu.memory_space<semaphore_mem>>, %arg13: memref<3x!tpu.dma_semaphore, #tpu.memory_space<semaphore_mem>>, %arg14: memref<3x112x16xf32, #tpu.memory_space<vmem>>, %arg15: memref<128xi32, #tpu.memory_space<vmem>>, %arg16: memref<128x64xf32, #tpu.memory_space<vmem>>, %arg17: memref<64x112xi32, #tpu.memory_space<vmem>>, %arg18: memref<3x112x16xf32, #tpu.memory_space<vmem>>, %arg19: memref<128xi32, #tpu.memory_space<vmem>>, %arg20: memref<128x64xf32, #tpu.memory_space<vmem>>, %arg21: memref<64x112xi32, #tpu.memory_space<vmem>>, %arg22: memref<3x!tpu.dma_semaphore, #tpu.memory_space<semaphore_mem>>, %arg23: memref<64x112xi32, #tpu.memory_space<vmem>>, %arg24: memref<3x112x64xf32, #tpu.memory_space<vmem>>) attributes {dimension_semantics = [#tpu.dimension_semantics<core_parallel>, #tpu.dimension_semantics<subcore_parallel>], iteration_bounds = array<i64: 2, 16>, scalar_prefetch = 0 : i64, scratch_operands = 13 : i64, tpu.core_type = #tpu.core_type<sc_vector_subcore>, window_params = [{transform_indices = #map}, {transform_indices = #map}, {transform_indices = #map}, {transform_indices = #map1}, {transform_indices = #map1}, {transform_indices = #map1}, {transform_indices = #map2}, {transform_indices = #map2}, {transform_indices = #map}, {transform_indices = #map}]} {
    %mul3A = arith.constant 2 : i32
    %mul3A_0 = arith.muli %arg1, %mul3A : i32
    %add3A = arith.addi %mul3A_0, %arg0 : i32
    %mul3A_1 = arith.constant 7168 : i32
    %mul3A_2 = arith.muli %add3A, %mul3A_1 : i32
    %mul3A_3 = arith.constant 128 : i32
    %mul3A_4 = arith.muli %add3A, %mul3A_3 : i32
    "tpu.region"() ({
      %run_scoped3A = tpu.sem_alloc : memref<!tpu.dma_semaphore, #tpu.memory_space<semaphore_mem>>
      %dma_start3A_180 = arith.constant 0 : i32
      %dma_start3A_181 = arith.constant 0 : i32
      %dma_start3A_182 = tpu.memref_slice %arg5[%add3A, %dma_start3A_180, %dma_start3A_181] : memref<32x64x112xi32, #tpu.memory_space<hbm>> -> memref<1x64x112xi32, #tpu.memory_space<hbm>>
      %dma_start3A_183 = tpu.memref_squeeze %dma_start3A_182 : memref<1x64x112xi32, #tpu.memory_space<hbm>> -> memref<64x112xi32, #tpu.memory_space<hbm>>
      %dma_start3A_184 = arith.constant 0 : i32
      %dma_start3A_185 = arith.constant 0 : i32
      %dma_start3A_186 = tpu.memref_slice %arg5[%add3A, %dma_start3A_184, %dma_start3A_185] : memref<32x64x112xi32, #tpu.memory_space<hbm>> -> memref<1x64x112xi32, #tpu.memory_space<hbm>>
      %dma_start3A_187 = tpu.memref_squeeze %dma_start3A_186 : memref<1x64x112xi32, #tpu.memory_space<hbm>> -> memref<64x112xi32, #tpu.memory_space<hbm>>
      tpu.enqueue_dma source(%dma_start3A_187 : memref<64x112xi32, #tpu.memory_space<hbm>>) target(%arg23 : memref<64x112xi32, #tpu.memory_space<vmem>>) target_semaphore(%run_scoped3A : memref<!tpu.dma_semaphore, #tpu.memory_space<semaphore_mem>>)
      %dma_wait3A_188 = arith.constant 0 : i32
      %dma_wait3A_189 = arith.constant 0 : i32
      %dma_wait3A_190 = tpu.memref_slice %arg5[%add3A, %dma_wait3A_188, %dma_wait3A_189] : memref<32x64x112xi32, #tpu.memory_space<hbm>> -> memref<1x64x112xi32, #tpu.memory_space<hbm>>
      %dma_wait3A_191 = tpu.memref_squeeze %dma_wait3A_190 : memref<1x64x112xi32, #tpu.memory_space<hbm>> -> memref<64x112xi32, #tpu.memory_space<hbm>>
      %dma_wait3A_192 = arith.constant 0 : i32
      %dma_wait3A_193 = arith.constant 0 : i32
      %dma_wait3A_194 = tpu.memref_slice %arg5[%add3A, %dma_wait3A_192, %dma_wait3A_193] : memref<32x64x112xi32, #tpu.memory_space<hbm>> -> memref<1x64x112xi32, #tpu.memory_space<hbm>>
      %dma_wait3A_195 = tpu.memref_squeeze %dma_wait3A_194 : memref<1x64x112xi32, #tpu.memory_space<hbm>> -> memref<64x112xi32, #tpu.memory_space<hbm>>
      tpu.wait_dma2 semaphore(%run_scoped3A : memref<!tpu.dma_semaphore, #tpu.memory_space<semaphore_mem>>) src(%dma_wait3A_195 : memref<64x112xi32, #tpu.memory_space<hbm>>) dst(%arg23 : memref<64x112xi32, #tpu.memory_space<vmem>>)
      tpu.yield
    }) : () -> ()
    "tpu.region"() ({
      %run_scoped3A = tpu.sem_alloc : memref<!tpu.dma_semaphore, #tpu.memory_space<semaphore_mem>>
      %dma_start3A_180 = arith.constant 0 : i32
      %dma_start3A_181 = arith.constant 0 : i32
      %dma_start3A_182 = tpu.memref_slice %arg6[%add3A, %dma_start3A_180, %dma_start3A_181] : memref<32x64x112xi32, #tpu.memory_space<hbm>> -> memref<1x64x112xi32, #tpu.memory_space<hbm>>
      %dma_start3A_183 = tpu.memref_squeeze %dma_start3A_182 : memref<1x64x112xi32, #tpu.memory_space<hbm>> -> memref<64x112xi32, #tpu.memory_space<hbm>>
      %dma_start3A_184 = arith.constant 0 : i32
      %dma_start3A_185 = arith.constant 0 : i32
      %dma_start3A_186 = tpu.memref_slice %arg6[%add3A, %dma_start3A_184, %dma_start3A_185] : memref<32x64x112xi32, #tpu.memory_space<hbm>> -> memref<1x64x112xi32, #tpu.memory_space<hbm>>
      %dma_start3A_187 = tpu.memref_squeeze %dma_start3A_186 : memref<1x64x112xi32, #tpu.memory_space<hbm>> -> memref<64x112xi32, #tpu.memory_space<hbm>>
      tpu.enqueue_dma source(%dma_start3A_187 : memref<64x112xi32, #tpu.memory_space<hbm>>) target(%arg17 : memref<64x112xi32, #tpu.memory_space<vmem>>) target_semaphore(%run_scoped3A : memref<!tpu.dma_semaphore, #tpu.memory_space<semaphore_mem>>)
      %dma_wait3A_188 = arith.constant 0 : i32
      %dma_wait3A_189 = arith.constant 0 : i32
      %dma_wait3A_190 = tpu.memref_slice %arg6[%add3A, %dma_wait3A_188, %dma_wait3A_189] : memref<32x64x112xi32, #tpu.memory_space<hbm>> -> memref<1x64x112xi32, #tpu.memory_space<hbm>>
      %dma_wait3A_191 = tpu.memref_squeeze %dma_wait3A_190 : memref<1x64x112xi32, #tpu.memory_space<hbm>> -> memref<64x112xi32, #tpu.memory_space<hbm>>
      %dma_wait3A_192 = arith.constant 0 : i32
      %dma_wait3A_193 = arith.constant 0 : i32
      %dma_wait3A_194 = tpu.memref_slice %arg6[%add3A, %dma_wait3A_192, %dma_wait3A_193] : memref<32x64x112xi32, #tpu.memory_space<hbm>> -> memref<1x64x112xi32, #tpu.memory_space<hbm>>
      %dma_wait3A_195 = tpu.memref_squeeze %dma_wait3A_194 : memref<1x64x112xi32, #tpu.memory_space<hbm>> -> memref<64x112xi32, #tpu.memory_space<hbm>>
      tpu.wait_dma2 semaphore(%run_scoped3A : memref<!tpu.dma_semaphore, #tpu.memory_space<semaphore_mem>>) src(%dma_wait3A_195 : memref<64x112xi32, #tpu.memory_space<hbm>>) dst(%arg17 : memref<64x112xi32, #tpu.memory_space<vmem>>)
      tpu.yield
    }) : () -> ()
    "tpu.region"() ({
      %run_scoped3A = tpu.sem_alloc : memref<!tpu.dma_semaphore, #tpu.memory_space<semaphore_mem>>
      %dma_start3A_180 = arith.constant 0 : i32
      %dma_start3A_181 = arith.constant 0 : i32
      %dma_start3A_182 = tpu.memref_slice %arg7[%add3A, %dma_start3A_180, %dma_start3A_181] : memref<32x64x112xi32, #tpu.memory_space<hbm>> -> memref<1x64x112xi32, #tpu.memory_space<hbm>>
      %dma_start3A_183 = tpu.memref_squeeze %dma_start3A_182 : memref<1x64x112xi32, #tpu.memory_space<hbm>> -> memref<64x112xi32, #tpu.memory_space<hbm>>
      %dma_start3A_184 = arith.constant 0 : i32
      %dma_start3A_185 = arith.constant 0 : i32
      %dma_start3A_186 = tpu.memref_slice %arg7[%add3A, %dma_start3A_184, %dma_start3A_185] : memref<32x64x112xi32, #tpu.memory_space<hbm>> -> memref<1x64x112xi32, #tpu.memory_space<hbm>>
      %dma_start3A_187 = tpu.memref_squeeze %dma_start3A_186 : memref<1x64x112xi32, #tpu.memory_space<hbm>> -> memref<64x112xi32, #tpu.memory_space<hbm>>
      tpu.enqueue_dma source(%dma_start3A_187 : memref<64x112xi32, #tpu.memory_space<hbm>>) target(%arg21 : memref<64x112xi32, #tpu.memory_space<vmem>>) target_semaphore(%run_scoped3A : memref<!tpu.dma_semaphore, #tpu.memory_space<semaphore_mem>>)
      %dma_wait3A_188 = arith.constant 0 : i32
      %dma_wait3A_189 = arith.constant 0 : i32
      %dma_wait3A_190 = tpu.memref_slice %arg7[%add3A, %dma_wait3A_188, %dma_wait3A_189] : memref<32x64x112xi32, #tpu.memory_space<hbm>> -> memref<1x64x112xi32, #tpu.memory_space<hbm>>
      %dma_wait3A_191 = tpu.memref_squeeze %dma_wait3A_190 : memref<1x64x112xi32, #tpu.memory_space<hbm>> -> memref<64x112xi32, #tpu.memory_space<hbm>>
      %dma_wait3A_192 = arith.constant 0 : i32
      %dma_wait3A_193 = arith.constant 0 : i32
      %dma_wait3A_194 = tpu.memref_slice %arg7[%add3A, %dma_wait3A_192, %dma_wait3A_193] : memref<32x64x112xi32, #tpu.memory_space<hbm>> -> memref<1x64x112xi32, #tpu.memory_space<hbm>>
      %dma_wait3A_195 = tpu.memref_squeeze %dma_wait3A_194 : memref<1x64x112xi32, #tpu.memory_space<hbm>> -> memref<64x112xi32, #tpu.memory_space<hbm>>
      tpu.wait_dma2 semaphore(%run_scoped3A : memref<!tpu.dma_semaphore, #tpu.memory_space<semaphore_mem>>) src(%dma_wait3A_195 : memref<64x112xi32, #tpu.memory_space<hbm>>) dst(%arg21 : memref<64x112xi32, #tpu.memory_space<vmem>>)
      tpu.yield
    }) : () -> ()
    "tpu.region"() ({
      %run_scoped3A = tpu.sem_alloc : memref<!tpu.dma_semaphore, #tpu.memory_space<semaphore_mem>>
      %dma_start3A_180 = tpu.memref_slice %arg8[%mul3A_4] : memref<4096xi32, #tpu.memory_space<hbm>> -> memref<128xi32, #tpu.memory_space<hbm>>
      %dma_start3A_181 = tpu.memref_slice %arg8[%mul3A_4] : memref<4096xi32, #tpu.memory_space<hbm>> -> memref<128xi32, #tpu.memory_space<hbm>>
      tpu.enqueue_dma source(%dma_start3A_181 : memref<128xi32, #tpu.memory_space<hbm>>) target(%arg15 : memref<128xi32, #tpu.memory_space<vmem>>) target_semaphore(%run_scoped3A : memref<!tpu.dma_semaphore, #tpu.memory_space<semaphore_mem>>)
      %dma_wait3A_182 = tpu.memref_slice %arg8[%mul3A_4] : memref<4096xi32, #tpu.memory_space<hbm>> -> memref<128xi32, #tpu.memory_space<hbm>>
      %dma_wait3A_183 = tpu.memref_slice %arg8[%mul3A_4] : memref<4096xi32, #tpu.memory_space<hbm>> -> memref<128xi32, #tpu.memory_space<hbm>>
      tpu.wait_dma2 semaphore(%run_scoped3A : memref<!tpu.dma_semaphore, #tpu.memory_space<semaphore_mem>>) src(%dma_wait3A_183 : memref<128xi32, #tpu.memory_space<hbm>>) dst(%arg15 : memref<128xi32, #tpu.memory_space<vmem>>)
      tpu.yield
    }) : () -> ()
    "tpu.region"() ({
      %run_scoped3A = tpu.sem_alloc : memref<!tpu.dma_semaphore, #tpu.memory_space<semaphore_mem>>
      %dma_start3A_180 = tpu.memref_slice %arg9[%mul3A_4] : memref<4096xi32, #tpu.memory_space<hbm>> -> memref<128xi32, #tpu.memory_space<hbm>>
      %dma_start3A_181 = tpu.memref_slice %arg9[%mul3A_4] : memref<4096xi32, #tpu.memory_space<hbm>> -> memref<128xi32, #tpu.memory_space<hbm>>
      tpu.enqueue_dma source(%dma_start3A_181 : memref<128xi32, #tpu.memory_space<hbm>>) target(%arg19 : memref<128xi32, #tpu.memory_space<vmem>>) target_semaphore(%run_scoped3A : memref<!tpu.dma_semaphore, #tpu.memory_space<semaphore_mem>>)
      %dma_wait3A_182 = tpu.memref_slice %arg9[%mul3A_4] : memref<4096xi32, #tpu.memory_space<hbm>> -> memref<128xi32, #tpu.memory_space<hbm>>
      %dma_wait3A_183 = tpu.memref_slice %arg9[%mul3A_4] : memref<4096xi32, #tpu.memory_space<hbm>> -> memref<128xi32, #tpu.memory_space<hbm>>
      tpu.wait_dma2 semaphore(%run_scoped3A : memref<!tpu.dma_semaphore, #tpu.memory_space<semaphore_mem>>) src(%dma_wait3A_183 : memref<128xi32, #tpu.memory_space<hbm>>) dst(%arg19 : memref<128xi32, #tpu.memory_space<vmem>>)
      tpu.yield
    }) : () -> ()
    %dma_start3A = arith.constant 0 : i32
    %dma_start3A_5 = arith.constant 0 : i32
    %dma_start3A_6 = tpu.memref_slice %arg2[%dma_start3A, %dma_start3A_5] : memref<100000x64xf32, #tpu.memory_space<hbm>> -> memref<100000x64xf32, #tpu.memory_space<hbm>>
    tpu.enqueue_indirect_dma source(%dma_start3A_6 : memref<100000x64xf32, #tpu.memory_space<hbm>>) target(%arg16 : memref<128x64xf32, #tpu.memory_space<vmem>>) offsets(%arg15 : memref<128xi32, #tpu.memory_space<vmem>>) semaphore(%arg12 : memref<!tpu.dma_semaphore, #tpu.memory_space<semaphore_mem>>)
    %dma_start3A_7 = arith.constant 0 : i32
    %dma_start3A_8 = arith.constant 0 : i32
    %dma_start3A_9 = tpu.memref_slice %arg2[%dma_start3A_7, %dma_start3A_8] : memref<100000x64xf32, #tpu.memory_space<hbm>> -> memref<100000x64xf32, #tpu.memory_space<hbm>>
    tpu.enqueue_indirect_dma source(%dma_start3A_9 : memref<100000x64xf32, #tpu.memory_space<hbm>>) target(%arg20 : memref<128x64xf32, #tpu.memory_space<vmem>>) offsets(%arg19 : memref<128xi32, #tpu.memory_space<vmem>>) semaphore(%arg12 : memref<!tpu.dma_semaphore, #tpu.memory_space<semaphore_mem>>)
    %dma_wait3A = arith.constant 0 : i32
    %dma_wait3A_10 = arith.constant 0 : i32
    %dma_wait3A_11 = tpu.memref_slice %arg2[%dma_wait3A, %dma_wait3A_10] : memref<100000x64xf32, #tpu.memory_space<hbm>> -> memref<100000x64xf32, #tpu.memory_space<hbm>>
    tpu.wait_indirect_dma semaphore(%arg12 : memref<!tpu.dma_semaphore, #tpu.memory_space<semaphore_mem>>) src(%dma_wait3A_11 : memref<100000x64xf32, #tpu.memory_space<hbm>>) dst(%arg16 : memref<128x64xf32, #tpu.memory_space<vmem>>)
    %dma_wait3A_12 = arith.constant 0 : i32
    %dma_wait3A_13 = arith.constant 0 : i32
    %dma_wait3A_14 = tpu.memref_slice %arg2[%dma_wait3A_12, %dma_wait3A_13] : memref<100000x64xf32, #tpu.memory_space<hbm>> -> memref<100000x64xf32, #tpu.memory_space<hbm>>
    tpu.wait_indirect_dma semaphore(%arg12 : memref<!tpu.dma_semaphore, #tpu.memory_space<semaphore_mem>>) src(%dma_wait3A_14 : memref<100000x64xf32, #tpu.memory_space<hbm>>) dst(%arg20 : memref<128x64xf32, #tpu.memory_space<vmem>>)
    %dma_start3A_15 = arith.constant 0 : i32
    %dma_start3A_16 = tpu.memref_slice %arg11[%mul3A_4, %dma_start3A_15] : memref<4096x128xf32, #tpu.memory_space<hbm>> -> memref<128x64xf32, #tpu.memory_space<hbm>>
    %dma_start3A_17 = arith.constant 0 : i32
    %dma_start3A_18 = tpu.memref_slice %arg11[%mul3A_4, %dma_start3A_17] : memref<4096x128xf32, #tpu.memory_space<hbm>> -> memref<128x64xf32, #tpu.memory_space<hbm>>
    tpu.enqueue_dma source(%arg16 : memref<128x64xf32, #tpu.memory_space<vmem>>) target(%dma_start3A_18 : memref<128x64xf32, #tpu.memory_space<hbm>>) target_semaphore(%arg12 : memref<!tpu.dma_semaphore, #tpu.memory_space<semaphore_mem>>)
    %dma_start3A_19 = arith.constant 64 : i32
    %dma_start3A_20 = tpu.memref_slice %arg11[%mul3A_4, %dma_start3A_19] : memref<4096x128xf32, #tpu.memory_space<hbm>> -> memref<128x64xf32, #tpu.memory_space<hbm>>
    %dma_start3A_21 = arith.constant 64 : i32
    %dma_start3A_22 = tpu.memref_slice %arg11[%mul3A_4, %dma_start3A_21] : memref<4096x128xf32, #tpu.memory_space<hbm>> -> memref<128x64xf32, #tpu.memory_space<hbm>>
    tpu.enqueue_dma source(%arg20 : memref<128x64xf32, #tpu.memory_space<vmem>>) target(%dma_start3A_22 : memref<128x64xf32, #tpu.memory_space<hbm>>) target_semaphore(%arg12 : memref<!tpu.dma_semaphore, #tpu.memory_space<semaphore_mem>>)
    %dma_start3A_23 = arith.constant 0 : i32
    %dma_start3A_24 = arith.constant 0 : i32
    %dma_start3A_25 = arith.constant 0 : i32
    %dma_start3A_26 = arith.constant 0 : i32
    %dma_start3A_27 = arith.constant 0 : i32
    %dma_start3A_28 = tpu.memref_slice %arg24[%dma_start3A_24, %dma_start3A_26, %dma_start3A_27] : memref<3x112x64xf32, #tpu.memory_space<vmem>> -> memref<1x112x64xf32, #tpu.memory_space<vmem>>
    %dma_start3A_29 = tpu.memref_squeeze %dma_start3A_28 : memref<1x112x64xf32, #tpu.memory_space<vmem>> -> memref<112x64xf32, #tpu.memory_space<vmem>>
    %dma_start3A_30 = arith.constant 0 : i32
    %dma_start3A_31 = tpu.memref_slice %arg23[%dma_start3A_23, %dma_start3A_30] : memref<64x112xi32, #tpu.memory_space<vmem>> -> memref<1x112xi32, #tpu.memory_space<vmem>>
    %dma_start3A_32 = tpu.memref_squeeze %dma_start3A_31 : memref<1x112xi32, #tpu.memory_space<vmem>> -> memref<112xi32, #tpu.memory_space<vmem>>
    %dma_start3A_33 = arith.constant 0 : i32
    %dma_start3A_34 = arith.constant 0 : i32
    %dma_start3A_35 = tpu.memref_slice %arg2[%dma_start3A_33, %dma_start3A_34] : memref<100000x64xf32, #tpu.memory_space<hbm>> -> memref<100000x64xf32, #tpu.memory_space<hbm>>
    %dma_start3A_36 = tpu.memref_slice %arg13[%dma_start3A_25] : memref<3x!tpu.dma_semaphore, #tpu.memory_space<semaphore_mem>> -> memref<1x!tpu.dma_semaphore, #tpu.memory_space<semaphore_mem>>
    %dma_start3A_37 = tpu.memref_squeeze %dma_start3A_36 : memref<1x!tpu.dma_semaphore, #tpu.memory_space<semaphore_mem>> -> memref<!tpu.dma_semaphore, #tpu.memory_space<semaphore_mem>>
    tpu.enqueue_indirect_dma source(%dma_start3A_35 : memref<100000x64xf32, #tpu.memory_space<hbm>>) target(%dma_start3A_29 : memref<112x64xf32, #tpu.memory_space<vmem>>) offsets(%dma_start3A_32 : memref<112xi32, #tpu.memory_space<vmem>>) semaphore(%dma_start3A_37 : memref<!tpu.dma_semaphore, #tpu.memory_space<semaphore_mem>>)
    %dma_start3A_38 = arith.constant 0 : i32
    %dma_start3A_39 = arith.constant 0 : i32
    %dma_start3A_40 = arith.constant 0 : i32
    %dma_start3A_41 = arith.constant 0 : i32
    %dma_start3A_42 = arith.constant 0 : i32
    %dma_start3A_43 = tpu.memref_slice %arg14[%dma_start3A_39, %dma_start3A_41, %dma_start3A_42] : memref<3x112x16xf32, #tpu.memory_space<vmem>> -> memref<1x112x16xf32, #tpu.memory_space<vmem>>
    %dma_start3A_44 = tpu.memref_squeeze %dma_start3A_43 : memref<1x112x16xf32, #tpu.memory_space<vmem>> -> memref<112x16xf32, #tpu.memory_space<vmem>>
    %dma_start3A_45 = arith.constant 0 : i32
    %dma_start3A_46 = tpu.memref_slice %arg17[%dma_start3A_38, %dma_start3A_45] : memref<64x112xi32, #tpu.memory_space<vmem>> -> memref<1x112xi32, #tpu.memory_space<vmem>>
    %dma_start3A_47 = tpu.memref_squeeze %dma_start3A_46 : memref<1x112xi32, #tpu.memory_space<vmem>> -> memref<112xi32, #tpu.memory_space<vmem>>
    %dma_start3A_48 = arith.constant 0 : i32
    %dma_start3A_49 = arith.constant 0 : i32
    %dma_start3A_50 = tpu.memref_slice %arg3[%dma_start3A_48, %dma_start3A_49] : memref<1000x16xf32, #tpu.memory_space<hbm>> -> memref<1000x16xf32, #tpu.memory_space<hbm>>
    %dma_start3A_51 = tpu.memref_slice %arg13[%dma_start3A_40] : memref<3x!tpu.dma_semaphore, #tpu.memory_space<semaphore_mem>> -> memref<1x!tpu.dma_semaphore, #tpu.memory_space<semaphore_mem>>
    %dma_start3A_52 = tpu.memref_squeeze %dma_start3A_51 : memref<1x!tpu.dma_semaphore, #tpu.memory_space<semaphore_mem>> -> memref<!tpu.dma_semaphore, #tpu.memory_space<semaphore_mem>>
    tpu.enqueue_indirect_dma source(%dma_start3A_50 : memref<1000x16xf32, #tpu.memory_space<hbm>>) target(%dma_start3A_44 : memref<112x16xf32, #tpu.memory_space<vmem>>) offsets(%dma_start3A_47 : memref<112xi32, #tpu.memory_space<vmem>>) semaphore(%dma_start3A_52 : memref<!tpu.dma_semaphore, #tpu.memory_space<semaphore_mem>>)
    %dma_start3A_53 = arith.constant 0 : i32
    %dma_start3A_54 = arith.constant 0 : i32
    %dma_start3A_55 = arith.constant 0 : i32
    %dma_start3A_56 = arith.constant 0 : i32
    %dma_start3A_57 = arith.constant 0 : i32
    %dma_start3A_58 = tpu.memref_slice %arg18[%dma_start3A_54, %dma_start3A_56, %dma_start3A_57] : memref<3x112x16xf32, #tpu.memory_space<vmem>> -> memref<1x112x16xf32, #tpu.memory_space<vmem>>
    %dma_start3A_59 = tpu.memref_squeeze %dma_start3A_58 : memref<1x112x16xf32, #tpu.memory_space<vmem>> -> memref<112x16xf32, #tpu.memory_space<vmem>>
    %dma_start3A_60 = arith.constant 0 : i32
    %dma_start3A_61 = tpu.memref_slice %arg21[%dma_start3A_53, %dma_start3A_60] : memref<64x112xi32, #tpu.memory_space<vmem>> -> memref<1x112xi32, #tpu.memory_space<vmem>>
    %dma_start3A_62 = tpu.memref_squeeze %dma_start3A_61 : memref<1x112xi32, #tpu.memory_space<vmem>> -> memref<112xi32, #tpu.memory_space<vmem>>
    %dma_start3A_63 = arith.constant 0 : i32
    %dma_start3A_64 = arith.constant 0 : i32
    %dma_start3A_65 = tpu.memref_slice %arg4[%dma_start3A_63, %dma_start3A_64] : memref<1000x16xf32, #tpu.memory_space<hbm>> -> memref<1000x16xf32, #tpu.memory_space<hbm>>
    %dma_start3A_66 = tpu.memref_slice %arg13[%dma_start3A_55] : memref<3x!tpu.dma_semaphore, #tpu.memory_space<semaphore_mem>> -> memref<1x!tpu.dma_semaphore, #tpu.memory_space<semaphore_mem>>
    %dma_start3A_67 = tpu.memref_squeeze %dma_start3A_66 : memref<1x!tpu.dma_semaphore, #tpu.memory_space<semaphore_mem>> -> memref<!tpu.dma_semaphore, #tpu.memory_space<semaphore_mem>>
    tpu.enqueue_indirect_dma source(%dma_start3A_65 : memref<1000x16xf32, #tpu.memory_space<hbm>>) target(%dma_start3A_59 : memref<112x16xf32, #tpu.memory_space<vmem>>) offsets(%dma_start3A_62 : memref<112xi32, #tpu.memory_space<vmem>>) semaphore(%dma_start3A_67 : memref<!tpu.dma_semaphore, #tpu.memory_space<semaphore_mem>>)
    %scan3A = arith.constant 0 : i32
    %scan3A_68 = arith.constant 64 : i32
    %scan3A_69 = arith.addi %scan3A, %scan3A_68 : i32
    %scan3A_70 = arith.constant 1 : i32
    scf.for %scan3A_180 = %scan3A to %scan3A_69 step %scan3A_70  : i32 {
      %mul3A_181 = arith.constant 1 : i32
      %mul3A_182 = arith.muli %scan3A_180, %mul3A_181 : i32
      %add3A_183 = arith.constant 0 : i32
      %add3A_184 = arith.addi %add3A_183, %mul3A_182 : i32
      %rem3A = arith.constant 3 : i32
      %rem3A_185 = arith.remsi %add3A_184, %rem3A : i32
      %add3A_186 = arith.constant 1 : i32
      %add3A_187 = arith.addi %add3A_184, %add3A_186 : i32
      %rem3A_188 = arith.constant 3 : i32
      %rem3A_189 = arith.remsi %add3A_187, %rem3A_188 : i32
      %add3A_190 = arith.constant 1 : i32
      %add3A_191 = arith.addi %add3A_184, %add3A_190 : i32
      %lt3A = arith.constant 64 : i32
      %lt3A_192 = arith.cmpi slt, %add3A_191, %lt3A : i32
      %convert_element_type3A = arith.extui %lt3A_192 : i1 to i32
      %cond3A = arith.constant 0 : i32
      %cond3A_193 = arith.cmpi ne, %convert_element_type3A, %cond3A : i32
      scf.if %cond3A_193 {
        %ge3A = arith.constant 2 : i32
        %ge3A_275 = arith.cmpi sge, %add3A_184, %ge3A : i32
        %convert_element_type3A_276 = arith.extui %ge3A_275 : i1 to i32
        %cond3A_277 = arith.constant 0 : i32
        %cond3A_278 = arith.cmpi ne, %convert_element_type3A_276, %cond3A_277 : i32
        scf.if %cond3A_278 {
          %sub3A = arith.constant 2 : i32
          %sub3A_317 = arith.subi %add3A_184, %sub3A : i32
          %mul3A_318 = arith.constant 112 : i32
          %mul3A_319 = arith.muli %sub3A_317, %mul3A_318 : i32
          %add3A_320 = arith.addi %mul3A_2, %mul3A_319 : i32
          %dma_wait3A_321 = arith.constant 0 : i32
          %dma_wait3A_322 = arith.constant 0 : i32
          %dma_wait3A_323 = tpu.memref_slice %arg24[%rem3A_189, %dma_wait3A_321, %dma_wait3A_322] : memref<3x112x64xf32, #tpu.memory_space<vmem>> -> memref<1x112x64xf32, #tpu.memory_space<vmem>>
          %dma_wait3A_324 = tpu.memref_squeeze %dma_wait3A_323 : memref<1x112x64xf32, #tpu.memory_space<vmem>> -> memref<112x64xf32, #tpu.memory_space<vmem>>
          %dma_wait3A_325 = arith.constant 0 : i32
          %dma_wait3A_326 = tpu.memref_slice %arg10[%add3A_320, %dma_wait3A_325] : memref<229376x128xf32, #tpu.memory_space<hbm>> -> memref<112x64xf32, #tpu.memory_space<hbm>>
          %dma_wait3A_327 = tpu.memref_slice %arg22[%rem3A_189] : memref<3x!tpu.dma_semaphore, #tpu.memory_space<semaphore_mem>> -> memref<1x!tpu.dma_semaphore, #tpu.memory_space<semaphore_mem>>
          %dma_wait3A_328 = tpu.memref_squeeze %dma_wait3A_327 : memref<1x!tpu.dma_semaphore, #tpu.memory_space<semaphore_mem>> -> memref<!tpu.dma_semaphore, #tpu.memory_space<semaphore_mem>>
          %dma_wait3A_329 = arith.constant 0 : i32
          %dma_wait3A_330 = tpu.memref_slice %arg10[%add3A_320, %dma_wait3A_329] : memref<229376x128xf32, #tpu.memory_space<hbm>> -> memref<112x64xf32, #tpu.memory_space<hbm>>
          %dma_wait3A_331 = arith.constant 0 : i32
          %dma_wait3A_332 = arith.constant 0 : i32
          %dma_wait3A_333 = tpu.memref_slice %arg24[%rem3A_189, %dma_wait3A_331, %dma_wait3A_332] : memref<3x112x64xf32, #tpu.memory_space<vmem>> -> memref<1x112x64xf32, #tpu.memory_space<vmem>>
          %dma_wait3A_334 = tpu.memref_squeeze %dma_wait3A_333 : memref<1x112x64xf32, #tpu.memory_space<vmem>> -> memref<112x64xf32, #tpu.memory_space<vmem>>
          tpu.wait_dma2 semaphore(%dma_wait3A_328 : memref<!tpu.dma_semaphore, #tpu.memory_space<semaphore_mem>>) src(%dma_wait3A_334 : memref<112x64xf32, #tpu.memory_space<vmem>>) dst(%dma_wait3A_330 : memref<112x64xf32, #tpu.memory_space<hbm>>)
          %dma_wait3A_335 = arith.constant 0 : i32
          %dma_wait3A_336 = arith.constant 0 : i32
          %dma_wait3A_337 = tpu.memref_slice %arg14[%rem3A_189, %dma_wait3A_335, %dma_wait3A_336] : memref<3x112x16xf32, #tpu.memory_space<vmem>> -> memref<1x112x16xf32, #tpu.memory_space<vmem>>
          %dma_wait3A_338 = tpu.memref_squeeze %dma_wait3A_337 : memref<1x112x16xf32, #tpu.memory_space<vmem>> -> memref<112x16xf32, #tpu.memory_space<vmem>>
          %dma_wait3A_339 = arith.constant 64 : i32
          %dma_wait3A_340 = tpu.memref_slice %arg10[%add3A_320, %dma_wait3A_339] : memref<229376x128xf32, #tpu.memory_space<hbm>> -> memref<112x16xf32, #tpu.memory_space<hbm>>
          %dma_wait3A_341 = tpu.memref_slice %arg22[%rem3A_189] : memref<3x!tpu.dma_semaphore, #tpu.memory_space<semaphore_mem>> -> memref<1x!tpu.dma_semaphore, #tpu.memory_space<semaphore_mem>>
          %dma_wait3A_342 = tpu.memref_squeeze %dma_wait3A_341 : memref<1x!tpu.dma_semaphore, #tpu.memory_space<semaphore_mem>> -> memref<!tpu.dma_semaphore, #tpu.memory_space<semaphore_mem>>
          %dma_wait3A_343 = arith.constant 64 : i32
          %dma_wait3A_344 = tpu.memref_slice %arg10[%add3A_320, %dma_wait3A_343] : memref<229376x128xf32, #tpu.memory_space<hbm>> -> memref<112x16xf32, #tpu.memory_space<hbm>>
          %dma_wait3A_345 = arith.constant 0 : i32
          %dma_wait3A_346 = arith.constant 0 : i32
          %dma_wait3A_347 = tpu.memref_slice %arg14[%rem3A_189, %dma_wait3A_345, %dma_wait3A_346] : memref<3x112x16xf32, #tpu.memory_space<vmem>> -> memref<1x112x16xf32, #tpu.memory_space<vmem>>
          %dma_wait3A_348 = tpu.memref_squeeze %dma_wait3A_347 : memref<1x112x16xf32, #tpu.memory_space<vmem>> -> memref<112x16xf32, #tpu.memory_space<vmem>>
          tpu.wait_dma2 semaphore(%dma_wait3A_342 : memref<!tpu.dma_semaphore, #tpu.memory_space<semaphore_mem>>) src(%dma_wait3A_348 : memref<112x16xf32, #tpu.memory_space<vmem>>) dst(%dma_wait3A_344 : memref<112x16xf32, #tpu.memory_space<hbm>>)
          %dma_wait3A_349 = arith.constant 0 : i32
          %dma_wait3A_350 = arith.constant 0 : i32
          %dma_wait3A_351 = tpu.memref_slice %arg18[%rem3A_189, %dma_wait3A_349, %dma_wait3A_350] : memref<3x112x16xf32, #tpu.memory_space<vmem>> -> memref<1x112x16xf32, #tpu.memory_space<vmem>>
          %dma_wait3A_352 = tpu.memref_squeeze %dma_wait3A_351 : memref<1x112x16xf32, #tpu.memory_space<vmem>> -> memref<112x16xf32, #tpu.memory_space<vmem>>
          %dma_wait3A_353 = arith.constant 80 : i32
          %dma_wait3A_354 = tpu.memref_slice %arg10[%add3A_320, %dma_wait3A_353] : memref<229376x128xf32, #tpu.memory_space<hbm>> -> memref<112x16xf32, #tpu.memory_space<hbm>>
          %dma_wait3A_355 = tpu.memref_slice %arg22[%rem3A_189] : memref<3x!tpu.dma_semaphore, #tpu.memory_space<semaphore_mem>> -> memref<1x!tpu.dma_semaphore, #tpu.memory_space<semaphore_mem>>
          %dma_wait3A_356 = tpu.memref_squeeze %dma_wait3A_355 : memref<1x!tpu.dma_semaphore, #tpu.memory_space<semaphore_mem>> -> memref<!tpu.dma_semaphore, #tpu.memory_space<semaphore_mem>>
          %dma_wait3A_357 = arith.constant 80 : i32
          %dma_wait3A_358 = tpu.memref_slice %arg10[%add3A_320, %dma_wait3A_357] : memref<229376x128xf32, #tpu.memory_space<hbm>> -> memref<112x16xf32, #tpu.memory_space<hbm>>
          %dma_wait3A_359 = arith.constant 0 : i32
          %dma_wait3A_360 = arith.constant 0 : i32
          %dma_wait3A_361 = tpu.memref_slice %arg18[%rem3A_189, %dma_wait3A_359, %dma_wait3A_360] : memref<3x112x16xf32, #tpu.memory_space<vmem>> -> memref<1x112x16xf32, #tpu.memory_space<vmem>>
          %dma_wait3A_362 = tpu.memref_squeeze %dma_wait3A_361 : memref<1x112x16xf32, #tpu.memory_space<vmem>> -> memref<112x16xf32, #tpu.memory_space<vmem>>
          tpu.wait_dma2 semaphore(%dma_wait3A_356 : memref<!tpu.dma_semaphore, #tpu.memory_space<semaphore_mem>>) src(%dma_wait3A_362 : memref<112x16xf32, #tpu.memory_space<vmem>>) dst(%dma_wait3A_358 : memref<112x16xf32, #tpu.memory_space<hbm>>)
        } else {
        }
        %add3A_279 = arith.constant 1 : i32
        %add3A_280 = arith.addi %add3A_184, %add3A_279 : i32
        %dma_start3A_281 = arith.constant 0 : i32
        %dma_start3A_282 = arith.constant 0 : i32
        %dma_start3A_283 = tpu.memref_slice %arg24[%rem3A_189, %dma_start3A_281, %dma_start3A_282] : memref<3x112x64xf32, #tpu.memory_space<vmem>> -> memref<1x112x64xf32, #tpu.memory_space<vmem>>
        %dma_start3A_284 = tpu.memref_squeeze %dma_start3A_283 : memref<1x112x64xf32, #tpu.memory_space<vmem>> -> memref<112x64xf32, #tpu.memory_space<vmem>>
        %dma_start3A_285 = arith.constant 0 : i32
        %dma_start3A_286 = tpu.memref_slice %arg23[%add3A_280, %dma_start3A_285] : memref<64x112xi32, #tpu.memory_space<vmem>> -> memref<1x112xi32, #tpu.memory_space<vmem>>
        %dma_start3A_287 = tpu.memref_squeeze %dma_start3A_286 : memref<1x112xi32, #tpu.memory_space<vmem>> -> memref<112xi32, #tpu.memory_space<vmem>>
        %dma_start3A_288 = arith.constant 0 : i32
        %dma_start3A_289 = arith.constant 0 : i32
        %dma_start3A_290 = tpu.memref_slice %arg2[%dma_start3A_288, %dma_start3A_289] : memref<100000x64xf32, #tpu.memory_space<hbm>> -> memref<100000x64xf32, #tpu.memory_space<hbm>>
        %dma_start3A_291 = tpu.memref_slice %arg13[%rem3A_189] : memref<3x!tpu.dma_semaphore, #tpu.memory_space<semaphore_mem>> -> memref<1x!tpu.dma_semaphore, #tpu.memory_space<semaphore_mem>>
        %dma_start3A_292 = tpu.memref_squeeze %dma_start3A_291 : memref<1x!tpu.dma_semaphore, #tpu.memory_space<semaphore_mem>> -> memref<!tpu.dma_semaphore, #tpu.memory_space<semaphore_mem>>
        tpu.enqueue_indirect_dma source(%dma_start3A_290 : memref<100000x64xf32, #tpu.memory_space<hbm>>) target(%dma_start3A_284 : memref<112x64xf32, #tpu.memory_space<vmem>>) offsets(%dma_start3A_287 : memref<112xi32, #tpu.memory_space<vmem>>) semaphore(%dma_start3A_292 : memref<!tpu.dma_semaphore, #tpu.memory_space<semaphore_mem>>)
        %dma_start3A_293 = arith.constant 0 : i32
        %dma_start3A_294 = arith.constant 0 : i32
        %dma_start3A_295 = tpu.memref_slice %arg14[%rem3A_189, %dma_start3A_293, %dma_start3A_294] : memref<3x112x16xf32, #tpu.memory_space<vmem>> -> memref<1x112x16xf32, #tpu.memory_space<vmem>>
        %dma_start3A_296 = tpu.memref_squeeze %dma_start3A_295 : memref<1x112x16xf32, #tpu.memory_space<vmem>> -> memref<112x16xf32, #tpu.memory_space<vmem>>
        %dma_start3A_297 = arith.constant 0 : i32
        %dma_start3A_298 = tpu.memref_slice %arg17[%add3A_280, %dma_start3A_297] : memref<64x112xi32, #tpu.memory_space<vmem>> -> memref<1x112xi32, #tpu.memory_space<vmem>>
        %dma_start3A_299 = tpu.memref_squeeze %dma_start3A_298 : memref<1x112xi32, #tpu.memory_space<vmem>> -> memref<112xi32, #tpu.memory_space<vmem>>
        %dma_start3A_300 = arith.constant 0 : i32
        %dma_start3A_301 = arith.constant 0 : i32
        %dma_start3A_302 = tpu.memref_slice %arg3[%dma_start3A_300, %dma_start3A_301] : memref<1000x16xf32, #tpu.memory_space<hbm>> -> memref<1000x16xf32, #tpu.memory_space<hbm>>
        %dma_start3A_303 = tpu.memref_slice %arg13[%rem3A_189] : memref<3x!tpu.dma_semaphore, #tpu.memory_space<semaphore_mem>> -> memref<1x!tpu.dma_semaphore, #tpu.memory_space<semaphore_mem>>
        %dma_start3A_304 = tpu.memref_squeeze %dma_start3A_303 : memref<1x!tpu.dma_semaphore, #tpu.memory_space<semaphore_mem>> -> memref<!tpu.dma_semaphore, #tpu.memory_space<semaphore_mem>>
        tpu.enqueue_indirect_dma source(%dma_start3A_302 : memref<1000x16xf32, #tpu.memory_space<hbm>>) target(%dma_start3A_296 : memref<112x16xf32, #tpu.memory_space<vmem>>) offsets(%dma_start3A_299 : memref<112xi32, #tpu.memory_space<vmem>>) semaphore(%dma_start3A_304 : memref<!tpu.dma_semaphore, #tpu.memory_space<semaphore_mem>>)
        %dma_start3A_305 = arith.constant 0 : i32
        %dma_start3A_306 = arith.constant 0 : i32
        %dma_start3A_307 = tpu.memref_slice %arg18[%rem3A_189, %dma_start3A_305, %dma_start3A_306] : memref<3x112x16xf32, #tpu.memory_space<vmem>> -> memref<1x112x16xf32, #tpu.memory_space<vmem>>
        %dma_start3A_308 = tpu.memref_squeeze %dma_start3A_307 : memref<1x112x16xf32, #tpu.memory_space<vmem>> -> memref<112x16xf32, #tpu.memory_space<vmem>>
        %dma_start3A_309 = arith.constant 0 : i32
        %dma_start3A_310 = tpu.memref_slice %arg21[%add3A_280, %dma_start3A_309] : memref<64x112xi32, #tpu.memory_space<vmem>> -> memref<1x112xi32, #tpu.memory_space<vmem>>
        %dma_start3A_311 = tpu.memref_squeeze %dma_start3A_310 : memref<1x112xi32, #tpu.memory_space<vmem>> -> memref<112xi32, #tpu.memory_space<vmem>>
        %dma_start3A_312 = arith.constant 0 : i32
        %dma_start3A_313 = arith.constant 0 : i32
        %dma_start3A_314 = tpu.memref_slice %arg4[%dma_start3A_312, %dma_start3A_313] : memref<1000x16xf32, #tpu.memory_space<hbm>> -> memref<1000x16xf32, #tpu.memory_space<hbm>>
        %dma_start3A_315 = tpu.memref_slice %arg13[%rem3A_189] : memref<3x!tpu.dma_semaphore, #tpu.memory_space<semaphore_mem>> -> memref<1x!tpu.dma_semaphore, #tpu.memory_space<semaphore_mem>>
        %dma_start3A_316 = tpu.memref_squeeze %dma_start3A_315 : memref<1x!tpu.dma_semaphore, #tpu.memory_space<semaphore_mem>> -> memref<!tpu.dma_semaphore, #tpu.memory_space<semaphore_mem>>
        tpu.enqueue_indirect_dma source(%dma_start3A_314 : memref<1000x16xf32, #tpu.memory_space<hbm>>) target(%dma_start3A_308 : memref<112x16xf32, #tpu.memory_space<vmem>>) offsets(%dma_start3A_311 : memref<112xi32, #tpu.memory_space<vmem>>) semaphore(%dma_start3A_316 : memref<!tpu.dma_semaphore, #tpu.memory_space<semaphore_mem>>)
      } else {
      }
      %dma_wait3A_194 = arith.constant 0 : i32
      %dma_wait3A_195 = arith.constant 0 : i32
      %dma_wait3A_196 = tpu.memref_slice %arg24[%rem3A_185, %dma_wait3A_194, %dma_wait3A_195] : memref<3x112x64xf32, #tpu.memory_space<vmem>> -> memref<1x112x64xf32, #tpu.memory_space<vmem>>
      %dma_wait3A_197 = tpu.memref_squeeze %dma_wait3A_196 : memref<1x112x64xf32, #tpu.memory_space<vmem>> -> memref<112x64xf32, #tpu.memory_space<vmem>>
      %dma_wait3A_198 = arith.constant 0 : i32
      %dma_wait3A_199 = tpu.memref_slice %arg23[%add3A_184, %dma_wait3A_198] : memref<64x112xi32, #tpu.memory_space<vmem>> -> memref<1x112xi32, #tpu.memory_space<vmem>>
      %dma_wait3A_200 = tpu.memref_squeeze %dma_wait3A_199 : memref<1x112xi32, #tpu.memory_space<vmem>> -> memref<112xi32, #tpu.memory_space<vmem>>
      %dma_wait3A_201 = arith.constant 0 : i32
      %dma_wait3A_202 = arith.constant 0 : i32
      %dma_wait3A_203 = tpu.memref_slice %arg2[%dma_wait3A_201, %dma_wait3A_202] : memref<100000x64xf32, #tpu.memory_space<hbm>> -> memref<100000x64xf32, #tpu.memory_space<hbm>>
      %dma_wait3A_204 = tpu.memref_slice %arg13[%rem3A_185] : memref<3x!tpu.dma_semaphore, #tpu.memory_space<semaphore_mem>> -> memref<1x!tpu.dma_semaphore, #tpu.memory_space<semaphore_mem>>
      %dma_wait3A_205 = tpu.memref_squeeze %dma_wait3A_204 : memref<1x!tpu.dma_semaphore, #tpu.memory_space<semaphore_mem>> -> memref<!tpu.dma_semaphore, #tpu.memory_space<semaphore_mem>>
      tpu.wait_indirect_dma semaphore(%dma_wait3A_205 : memref<!tpu.dma_semaphore, #tpu.memory_space<semaphore_mem>>) src(%dma_wait3A_203 : memref<100000x64xf32, #tpu.memory_space<hbm>>) dst(%dma_wait3A_197 : memref<112x64xf32, #tpu.memory_space<vmem>>)
      %dma_wait3A_206 = arith.constant 0 : i32
      %dma_wait3A_207 = arith.constant 0 : i32
      %dma_wait3A_208 = tpu.memref_slice %arg14[%rem3A_185, %dma_wait3A_206, %dma_wait3A_207] : memref<3x112x16xf32, #tpu.memory_space<vmem>> -> memref<1x112x16xf32, #tpu.memory_space<vmem>>
      %dma_wait3A_209 = tpu.memref_squeeze %dma_wait3A_208 : memref<1x112x16xf32, #tpu.memory_space<vmem>> -> memref<112x16xf32, #tpu.memory_space<vmem>>
      %dma_wait3A_210 = arith.constant 0 : i32
      %dma_wait3A_211 = tpu.memref_slice %arg17[%add3A_184, %dma_wait3A_210] : memref<64x112xi32, #tpu.memory_space<vmem>> -> memref<1x112xi32, #tpu.memory_space<vmem>>
      %dma_wait3A_212 = tpu.memref_squeeze %dma_wait3A_211 : memref<1x112xi32, #tpu.memory_space<vmem>> -> memref<112xi32, #tpu.memory_space<vmem>>
      %dma_wait3A_213 = arith.constant 0 : i32
      %dma_wait3A_214 = arith.constant 0 : i32
      %dma_wait3A_215 = tpu.memref_slice %arg3[%dma_wait3A_213, %dma_wait3A_214] : memref<1000x16xf32, #tpu.memory_space<hbm>> -> memref<1000x16xf32, #tpu.memory_space<hbm>>
      %dma_wait3A_216 = tpu.memref_slice %arg13[%rem3A_185] : memref<3x!tpu.dma_semaphore, #tpu.memory_space<semaphore_mem>> -> memref<1x!tpu.dma_semaphore, #tpu.memory_space<semaphore_mem>>
      %dma_wait3A_217 = tpu.memref_squeeze %dma_wait3A_216 : memref<1x!tpu.dma_semaphore, #tpu.memory_space<semaphore_mem>> -> memref<!tpu.dma_semaphore, #tpu.memory_space<semaphore_mem>>
      tpu.wait_indirect_dma semaphore(%dma_wait3A_217 : memref<!tpu.dma_semaphore, #tpu.memory_space<semaphore_mem>>) src(%dma_wait3A_215 : memref<1000x16xf32, #tpu.memory_space<hbm>>) dst(%dma_wait3A_209 : memref<112x16xf32, #tpu.memory_space<vmem>>)
      %dma_wait3A_218 = arith.constant 0 : i32
      %dma_wait3A_219 = arith.constant 0 : i32
      %dma_wait3A_220 = tpu.memref_slice %arg18[%rem3A_185, %dma_wait3A_218, %dma_wait3A_219] : memref<3x112x16xf32, #tpu.memory_space<vmem>> -> memref<1x112x16xf32, #tpu.memory_space<vmem>>
      %dma_wait3A_221 = tpu.memref_squeeze %dma_wait3A_220 : memref<1x112x16xf32, #tpu.memory_space<vmem>> -> memref<112x16xf32, #tpu.memory_space<vmem>>
      %dma_wait3A_222 = arith.constant 0 : i32
      %dma_wait3A_223 = tpu.memref_slice %arg21[%add3A_184, %dma_wait3A_222] : memref<64x112xi32, #tpu.memory_space<vmem>> -> memref<1x112xi32, #tpu.memory_space<vmem>>
      %dma_wait3A_224 = tpu.memref_squeeze %dma_wait3A_223 : memref<1x112xi32, #tpu.memory_space<vmem>> -> memref<112xi32, #tpu.memory_space<vmem>>
      %dma_wait3A_225 = arith.constant 0 : i32
      %dma_wait3A_226 = arith.constant 0 : i32
      %dma_wait3A_227 = tpu.memref_slice %arg4[%dma_wait3A_225, %dma_wait3A_226] : memref<1000x16xf32, #tpu.memory_space<hbm>> -> memref<1000x16xf32, #tpu.memory_space<hbm>>
      %dma_wait3A_228 = tpu.memref_slice %arg13[%rem3A_185] : memref<3x!tpu.dma_semaphore, #tpu.memory_space<semaphore_mem>> -> memref<1x!tpu.dma_semaphore, #tpu.memory_space<semaphore_mem>>
      %dma_wait3A_229 = tpu.memref_squeeze %dma_wait3A_228 : memref<1x!tpu.dma_semaphore, #tpu.memory_space<semaphore_mem>> -> memref<!tpu.dma_semaphore, #tpu.memory_space<semaphore_mem>>
      tpu.wait_indirect_dma semaphore(%dma_wait3A_229 : memref<!tpu.dma_semaphore, #tpu.memory_space<semaphore_mem>>) src(%dma_wait3A_227 : memref<1000x16xf32, #tpu.memory_space<hbm>>) dst(%dma_wait3A_221 : memref<112x16xf32, #tpu.memory_space<vmem>>)
      %mul3A_230 = arith.constant 112 : i32
      %mul3A_231 = arith.muli %add3A_184, %mul3A_230 : i32
      %add3A_232 = arith.addi %mul3A_2, %mul3A_231 : i32
      %dma_start3A_233 = arith.constant 0 : i32
      %dma_start3A_234 = arith.constant 0 : i32
      %dma_start3A_235 = tpu.memref_slice %arg24[%rem3A_185, %dma_start3A_233, %dma_start3A_234] : memref<3x112x64xf32, #tpu.memory_space<vmem>> -> memref<1x112x64xf32, #tpu.memory_space<vmem>>
      %dma_start3A_236 = tpu.memref_squeeze %dma_start3A_235 : memref<1x112x64xf32, #tpu.memory_space<vmem>> -> memref<112x64xf32, #tpu.memory_space<vmem>>
      %dma_start3A_237 = arith.constant 0 : i32
      %dma_start3A_238 = tpu.memref_slice %arg10[%add3A_232, %dma_start3A_237] : memref<229376x128xf32, #tpu.memory_space<hbm>> -> memref<112x64xf32, #tpu.memory_space<hbm>>
      %dma_start3A_239 = tpu.memref_slice %arg22[%rem3A_185] : memref<3x!tpu.dma_semaphore, #tpu.memory_space<semaphore_mem>> -> memref<1x!tpu.dma_semaphore, #tpu.memory_space<semaphore_mem>>
      %dma_start3A_240 = tpu.memref_squeeze %dma_start3A_239 : memref<1x!tpu.dma_semaphore, #tpu.memory_space<semaphore_mem>> -> memref<!tpu.dma_semaphore, #tpu.memory_space<semaphore_mem>>
      %dma_start3A_241 = arith.constant 0 : i32
      %dma_start3A_242 = tpu.memref_slice %arg10[%add3A_232, %dma_start3A_241] : memref<229376x128xf32, #tpu.memory_space<hbm>> -> memref<112x64xf32, #tpu.memory_space<hbm>>
      %dma_start3A_243 = arith.constant 0 : i32
      %dma_start3A_244 = arith.constant 0 : i32
      %dma_start3A_245 = tpu.memref_slice %arg24[%rem3A_185, %dma_start3A_243, %dma_start3A_244] : memref<3x112x64xf32, #tpu.memory_space<vmem>> -> memref<1x112x64xf32, #tpu.memory_space<vmem>>
      %dma_start3A_246 = tpu.memref_squeeze %dma_start3A_245 : memref<1x112x64xf32, #tpu.memory_space<vmem>> -> memref<112x64xf32, #tpu.memory_space<vmem>>
      tpu.enqueue_dma source(%dma_start3A_246 : memref<112x64xf32, #tpu.memory_space<vmem>>) target(%dma_start3A_242 : memref<112x64xf32, #tpu.memory_space<hbm>>) target_semaphore(%dma_start3A_240 : memref<!tpu.dma_semaphore, #tpu.memory_space<semaphore_mem>>)
      %dma_start3A_247 = arith.constant 0 : i32
      %dma_start3A_248 = arith.constant 0 : i32
      %dma_start3A_249 = tpu.memref_slice %arg14[%rem3A_185, %dma_start3A_247, %dma_start3A_248] : memref<3x112x16xf32, #tpu.memory_space<vmem>> -> memref<1x112x16xf32, #tpu.memory_space<vmem>>
      %dma_start3A_250 = tpu.memref_squeeze %dma_start3A_249 : memref<1x112x16xf32, #tpu.memory_space<vmem>> -> memref<112x16xf32, #tpu.memory_space<vmem>>
      %dma_start3A_251 = arith.constant 64 : i32
      %dma_start3A_252 = tpu.memref_slice %arg10[%add3A_232, %dma_start3A_251] : memref<229376x128xf32, #tpu.memory_space<hbm>> -> memref<112x16xf32, #tpu.memory_space<hbm>>
      %dma_start3A_253 = tpu.memref_slice %arg22[%rem3A_185] : memref<3x!tpu.dma_semaphore, #tpu.memory_space<semaphore_mem>> -> memref<1x!tpu.dma_semaphore, #tpu.memory_space<semaphore_mem>>
      %dma_start3A_254 = tpu.memref_squeeze %dma_start3A_253 : memref<1x!tpu.dma_semaphore, #tpu.memory_space<semaphore_mem>> -> memref<!tpu.dma_semaphore, #tpu.memory_space<semaphore_mem>>
      %dma_start3A_255 = arith.constant 64 : i32
      %dma_start3A_256 = tpu.memref_slice %arg10[%add3A_232, %dma_start3A_255] : memref<229376x128xf32, #tpu.memory_space<hbm>> -> memref<112x16xf32, #tpu.memory_space<hbm>>
      %dma_start3A_257 = arith.constant 0 : i32
      %dma_start3A_258 = arith.constant 0 : i32
      %dma_start3A_259 = tpu.memref_slice %arg14[%rem3A_185, %dma_start3A_257, %dma_start3A_258] : memref<3x112x16xf32, #tpu.memory_space<vmem>> -> memref<1x112x16xf32, #tpu.memory_space<vmem>>
      %dma_start3A_260 = tpu.memref_squeeze %dma_start3A_259 : memref<1x112x16xf32, #tpu.memory_space<vmem>> -> memref<112x16xf32, #tpu.memory_space<vmem>>
      tpu.enqueue_dma source(%dma_start3A_260 : memref<112x16xf32, #tpu.memory_space<vmem>>) target(%dma_start3A_256 : memref<112x16xf32, #tpu.memory_space<hbm>>) target_semaphore(%dma_start3A_254 : memref<!tpu.dma_semaphore, #tpu.memory_space<semaphore_mem>>)
      %dma_start3A_261 = arith.constant 0 : i32
      %dma_start3A_262 = arith.constant 0 : i32
      %dma_start3A_263 = tpu.memref_slice %arg18[%rem3A_185, %dma_start3A_261, %dma_start3A_262] : memref<3x112x16xf32, #tpu.memory_space<vmem>> -> memref<1x112x16xf32, #tpu.memory_space<vmem>>
      %dma_start3A_264 = tpu.memref_squeeze %dma_start3A_263 : memref<1x112x16xf32, #tpu.memory_space<vmem>> -> memref<112x16xf32, #tpu.memory_space<vmem>>
      %dma_start3A_265 = arith.constant 80 : i32
      %dma_start3A_266 = tpu.memref_slice %arg10[%add3A_232, %dma_start3A_265] : memref<229376x128xf32, #tpu.memory_space<hbm>> -> memref<112x16xf32, #tpu.memory_space<hbm>>
      %dma_start3A_267 = tpu.memref_slice %arg22[%rem3A_185] : memref<3x!tpu.dma_semaphore, #tpu.memory_space<semaphore_mem>> -> memref<1x!tpu.dma_semaphore, #tpu.memory_space<semaphore_mem>>
      %dma_start3A_268 = tpu.memref_squeeze %dma_start3A_267 : memref<1x!tpu.dma_semaphore, #tpu.memory_space<semaphore_mem>> -> memref<!tpu.dma_semaphore, #tpu.memory_space<semaphore_mem>>
      %dma_start3A_269 = arith.constant 80 : i32
      %dma_start3A_270 = tpu.memref_slice %arg10[%add3A_232, %dma_start3A_269] : memref<229376x128xf32, #tpu.memory_space<hbm>> -> memref<112x16xf32, #tpu.memory_space<hbm>>
      %dma_start3A_271 = arith.constant 0 : i32
      %dma_start3A_272 = arith.constant 0 : i32
      %dma_start3A_273 = tpu.memref_slice %arg18[%rem3A_185, %dma_start3A_271, %dma_start3A_272] : memref<3x112x16xf32, #tpu.memory_space<vmem>> -> memref<1x112x16xf32, #tpu.memory_space<vmem>>
      %dma_start3A_274 = tpu.memref_squeeze %dma_start3A_273 : memref<1x112x16xf32, #tpu.memory_space<vmem>> -> memref<112x16xf32, #tpu.memory_space<vmem>>
      tpu.enqueue_dma source(%dma_start3A_274 : memref<112x16xf32, #tpu.memory_space<vmem>>) target(%dma_start3A_270 : memref<112x16xf32, #tpu.memory_space<hbm>>) target_semaphore(%dma_start3A_268 : memref<!tpu.dma_semaphore, #tpu.memory_space<semaphore_mem>>)
    }
    %scan3A_71 = arith.constant 64 : i32
    %add3A_72 = arith.constant 6944 : i32
    %add3A_73 = arith.addi %mul3A_2, %add3A_72 : i32
    %dma_wait3A_74 = arith.constant 2 : i32
    %dma_wait3A_75 = arith.constant 2 : i32
    %dma_wait3A_76 = arith.constant 0 : i32
    %dma_wait3A_77 = arith.constant 0 : i32
    %dma_wait3A_78 = tpu.memref_slice %arg24[%dma_wait3A_74, %dma_wait3A_76, %dma_wait3A_77] : memref<3x112x64xf32, #tpu.memory_space<vmem>> -> memref<1x112x64xf32, #tpu.memory_space<vmem>>
    %dma_wait3A_79 = tpu.memref_squeeze %dma_wait3A_78 : memref<1x112x64xf32, #tpu.memory_space<vmem>> -> memref<112x64xf32, #tpu.memory_space<vmem>>
    %dma_wait3A_80 = arith.constant 0 : i32
    %dma_wait3A_81 = tpu.memref_slice %arg10[%add3A_73, %dma_wait3A_80] : memref<229376x128xf32, #tpu.memory_space<hbm>> -> memref<112x64xf32, #tpu.memory_space<hbm>>
    %dma_wait3A_82 = tpu.memref_slice %arg22[%dma_wait3A_75] : memref<3x!tpu.dma_semaphore, #tpu.memory_space<semaphore_mem>> -> memref<1x!tpu.dma_semaphore, #tpu.memory_space<semaphore_mem>>
    %dma_wait3A_83 = tpu.memref_squeeze %dma_wait3A_82 : memref<1x!tpu.dma_semaphore, #tpu.memory_space<semaphore_mem>> -> memref<!tpu.dma_semaphore, #tpu.memory_space<semaphore_mem>>
    %dma_wait3A_84 = arith.constant 0 : i32
    %dma_wait3A_85 = tpu.memref_slice %arg10[%add3A_73, %dma_wait3A_84] : memref<229376x128xf32, #tpu.memory_space<hbm>> -> memref<112x64xf32, #tpu.memory_space<hbm>>
    %dma_wait3A_86 = arith.constant 0 : i32
    %dma_wait3A_87 = arith.constant 0 : i32
    %dma_wait3A_88 = tpu.memref_slice %arg24[%dma_wait3A_74, %dma_wait3A_86, %dma_wait3A_87] : memref<3x112x64xf32, #tpu.memory_space<vmem>> -> memref<1x112x64xf32, #tpu.memory_space<vmem>>
    %dma_wait3A_89 = tpu.memref_squeeze %dma_wait3A_88 : memref<1x112x64xf32, #tpu.memory_space<vmem>> -> memref<112x64xf32, #tpu.memory_space<vmem>>
    tpu.wait_dma2 semaphore(%dma_wait3A_83 : memref<!tpu.dma_semaphore, #tpu.memory_space<semaphore_mem>>) src(%dma_wait3A_89 : memref<112x64xf32, #tpu.memory_space<vmem>>) dst(%dma_wait3A_85 : memref<112x64xf32, #tpu.memory_space<hbm>>)
    %dma_wait3A_90 = arith.constant 2 : i32
    %dma_wait3A_91 = arith.constant 2 : i32
    %dma_wait3A_92 = arith.constant 0 : i32
    %dma_wait3A_93 = arith.constant 0 : i32
    %dma_wait3A_94 = tpu.memref_slice %arg14[%dma_wait3A_90, %dma_wait3A_92, %dma_wait3A_93] : memref<3x112x16xf32, #tpu.memory_space<vmem>> -> memref<1x112x16xf32, #tpu.memory_space<vmem>>
    %dma_wait3A_95 = tpu.memref_squeeze %dma_wait3A_94 : memref<1x112x16xf32, #tpu.memory_space<vmem>> -> memref<112x16xf32, #tpu.memory_space<vmem>>
    %dma_wait3A_96 = arith.constant 64 : i32
    %dma_wait3A_97 = tpu.memref_slice %arg10[%add3A_73, %dma_wait3A_96] : memref<229376x128xf32, #tpu.memory_space<hbm>> -> memref<112x16xf32, #tpu.memory_space<hbm>>
    %dma_wait3A_98 = tpu.memref_slice %arg22[%dma_wait3A_91] : memref<3x!tpu.dma_semaphore, #tpu.memory_space<semaphore_mem>> -> memref<1x!tpu.dma_semaphore, #tpu.memory_space<semaphore_mem>>
    %dma_wait3A_99 = tpu.memref_squeeze %dma_wait3A_98 : memref<1x!tpu.dma_semaphore, #tpu.memory_space<semaphore_mem>> -> memref<!tpu.dma_semaphore, #tpu.memory_space<semaphore_mem>>
    %dma_wait3A_100 = arith.constant 64 : i32
    %dma_wait3A_101 = tpu.memref_slice %arg10[%add3A_73, %dma_wait3A_100] : memref<229376x128xf32, #tpu.memory_space<hbm>> -> memref<112x16xf32, #tpu.memory_space<hbm>>
    %dma_wait3A_102 = arith.constant 0 : i32
    %dma_wait3A_103 = arith.constant 0 : i32
    %dma_wait3A_104 = tpu.memref_slice %arg14[%dma_wait3A_90, %dma_wait3A_102, %dma_wait3A_103] : memref<3x112x16xf32, #tpu.memory_space<vmem>> -> memref<1x112x16xf32, #tpu.memory_space<vmem>>
    %dma_wait3A_105 = tpu.memref_squeeze %dma_wait3A_104 : memref<1x112x16xf32, #tpu.memory_space<vmem>> -> memref<112x16xf32, #tpu.memory_space<vmem>>
    tpu.wait_dma2 semaphore(%dma_wait3A_99 : memref<!tpu.dma_semaphore, #tpu.memory_space<semaphore_mem>>) src(%dma_wait3A_105 : memref<112x16xf32, #tpu.memory_space<vmem>>) dst(%dma_wait3A_101 : memref<112x16xf32, #tpu.memory_space<hbm>>)
    %dma_wait3A_106 = arith.constant 2 : i32
    %dma_wait3A_107 = arith.constant 2 : i32
    %dma_wait3A_108 = arith.constant 0 : i32
    %dma_wait3A_109 = arith.constant 0 : i32
    %dma_wait3A_110 = tpu.memref_slice %arg18[%dma_wait3A_106, %dma_wait3A_108, %dma_wait3A_109] : memref<3x112x16xf32, #tpu.memory_space<vmem>> -> memref<1x112x16xf32, #tpu.memory_space<vmem>>
    %dma_wait3A_111 = tpu.memref_squeeze %dma_wait3A_110 : memref<1x112x16xf32, #tpu.memory_space<vmem>> -> memref<112x16xf32, #tpu.memory_space<vmem>>
    %dma_wait3A_112 = arith.constant 80 : i32
    %dma_wait3A_113 = tpu.memref_slice %arg10[%add3A_73, %dma_wait3A_112] : memref<229376x128xf32, #tpu.memory_space<hbm>> -> memref<112x16xf32, #tpu.memory_space<hbm>>
    %dma_wait3A_114 = tpu.memref_slice %arg22[%dma_wait3A_107] : memref<3x!tpu.dma_semaphore, #tpu.memory_space<semaphore_mem>> -> memref<1x!tpu.dma_semaphore, #tpu.memory_space<semaphore_mem>>
    %dma_wait3A_115 = tpu.memref_squeeze %dma_wait3A_114 : memref<1x!tpu.dma_semaphore, #tpu.memory_space<semaphore_mem>> -> memref<!tpu.dma_semaphore, #tpu.memory_space<semaphore_mem>>
    %dma_wait3A_116 = arith.constant 80 : i32
    %dma_wait3A_117 = tpu.memref_slice %arg10[%add3A_73, %dma_wait3A_116] : memref<229376x128xf32, #tpu.memory_space<hbm>> -> memref<112x16xf32, #tpu.memory_space<hbm>>
    %dma_wait3A_118 = arith.constant 0 : i32
    %dma_wait3A_119 = arith.constant 0 : i32
    %dma_wait3A_120 = tpu.memref_slice %arg18[%dma_wait3A_106, %dma_wait3A_118, %dma_wait3A_119] : memref<3x112x16xf32, #tpu.memory_space<vmem>> -> memref<1x112x16xf32, #tpu.memory_space<vmem>>
    %dma_wait3A_121 = tpu.memref_squeeze %dma_wait3A_120 : memref<1x112x16xf32, #tpu.memory_space<vmem>> -> memref<112x16xf32, #tpu.memory_space<vmem>>
    tpu.wait_dma2 semaphore(%dma_wait3A_115 : memref<!tpu.dma_semaphore, #tpu.memory_space<semaphore_mem>>) src(%dma_wait3A_121 : memref<112x16xf32, #tpu.memory_space<vmem>>) dst(%dma_wait3A_117 : memref<112x16xf32, #tpu.memory_space<hbm>>)
    %add3A_122 = arith.constant 7056 : i32
    %add3A_123 = arith.addi %mul3A_2, %add3A_122 : i32
    %dma_wait3A_124 = arith.constant 0 : i32
    %dma_wait3A_125 = arith.constant 0 : i32
    %dma_wait3A_126 = arith.constant 0 : i32
    %dma_wait3A_127 = arith.constant 0 : i32
    %dma_wait3A_128 = tpu.memref_slice %arg24[%dma_wait3A_124, %dma_wait3A_126, %dma_wait3A_127] : memref<3x112x64xf32, #tpu.memory_space<vmem>> -> memref<1x112x64xf32, #tpu.memory_space<vmem>>
    %dma_wait3A_129 = tpu.memref_squeeze %dma_wait3A_128 : memref<1x112x64xf32, #tpu.memory_space<vmem>> -> memref<112x64xf32, #tpu.memory_space<vmem>>
    %dma_wait3A_130 = arith.constant 0 : i32
    %dma_wait3A_131 = tpu.memref_slice %arg10[%add3A_123, %dma_wait3A_130] : memref<229376x128xf32, #tpu.memory_space<hbm>> -> memref<112x64xf32, #tpu.memory_space<hbm>>
    %dma_wait3A_132 = tpu.memref_slice %arg22[%dma_wait3A_125] : memref<3x!tpu.dma_semaphore, #tpu.memory_space<semaphore_mem>> -> memref<1x!tpu.dma_semaphore, #tpu.memory_space<semaphore_mem>>
    %dma_wait3A_133 = tpu.memref_squeeze %dma_wait3A_132 : memref<1x!tpu.dma_semaphore, #tpu.memory_space<semaphore_mem>> -> memref<!tpu.dma_semaphore, #tpu.memory_space<semaphore_mem>>
    %dma_wait3A_134 = arith.constant 0 : i32
    %dma_wait3A_135 = tpu.memref_slice %arg10[%add3A_123, %dma_wait3A_134] : memref<229376x128xf32, #tpu.memory_space<hbm>> -> memref<112x64xf32, #tpu.memory_space<hbm>>
    %dma_wait3A_136 = arith.constant 0 : i32
    %dma_wait3A_137 = arith.constant 0 : i32
    %dma_wait3A_138 = tpu.memref_slice %arg24[%dma_wait3A_124, %dma_wait3A_136, %dma_wait3A_137] : memref<3x112x64xf32, #tpu.memory_space<vmem>> -> memref<1x112x64xf32, #tpu.memory_space<vmem>>
    %dma_wait3A_139 = tpu.memref_squeeze %dma_wait3A_138 : memref<1x112x64xf32, #tpu.memory_space<vmem>> -> memref<112x64xf32, #tpu.memory_space<vmem>>
    tpu.wait_dma2 semaphore(%dma_wait3A_133 : memref<!tpu.dma_semaphore, #tpu.memory_space<semaphore_mem>>) src(%dma_wait3A_139 : memref<112x64xf32, #tpu.memory_space<vmem>>) dst(%dma_wait3A_135 : memref<112x64xf32, #tpu.memory_space<hbm>>)
    %dma_wait3A_140 = arith.constant 0 : i32
    %dma_wait3A_141 = arith.constant 0 : i32
    %dma_wait3A_142 = arith.constant 0 : i32
    %dma_wait3A_143 = arith.constant 0 : i32
    %dma_wait3A_144 = tpu.memref_slice %arg14[%dma_wait3A_140, %dma_wait3A_142, %dma_wait3A_143] : memref<3x112x16xf32, #tpu.memory_space<vmem>> -> memref<1x112x16xf32, #tpu.memory_space<vmem>>
    %dma_wait3A_145 = tpu.memref_squeeze %dma_wait3A_144 : memref<1x112x16xf32, #tpu.memory_space<vmem>> -> memref<112x16xf32, #tpu.memory_space<vmem>>
    %dma_wait3A_146 = arith.constant 64 : i32
    %dma_wait3A_147 = tpu.memref_slice %arg10[%add3A_123, %dma_wait3A_146] : memref<229376x128xf32, #tpu.memory_space<hbm>> -> memref<112x16xf32, #tpu.memory_space<hbm>>
    %dma_wait3A_148 = tpu.memref_slice %arg22[%dma_wait3A_141] : memref<3x!tpu.dma_semaphore, #tpu.memory_space<semaphore_mem>> -> memref<1x!tpu.dma_semaphore, #tpu.memory_space<semaphore_mem>>
    %dma_wait3A_149 = tpu.memref_squeeze %dma_wait3A_148 : memref<1x!tpu.dma_semaphore, #tpu.memory_space<semaphore_mem>> -> memref<!tpu.dma_semaphore, #tpu.memory_space<semaphore_mem>>
    %dma_wait3A_150 = arith.constant 64 : i32
    %dma_wait3A_151 = tpu.memref_slice %arg10[%add3A_123, %dma_wait3A_150] : memref<229376x128xf32, #tpu.memory_space<hbm>> -> memref<112x16xf32, #tpu.memory_space<hbm>>
    %dma_wait3A_152 = arith.constant 0 : i32
    %dma_wait3A_153 = arith.constant 0 : i32
    %dma_wait3A_154 = tpu.memref_slice %arg14[%dma_wait3A_140, %dma_wait3A_152, %dma_wait3A_153] : memref<3x112x16xf32, #tpu.memory_space<vmem>> -> memref<1x112x16xf32, #tpu.memory_space<vmem>>
    %dma_wait3A_155 = tpu.memref_squeeze %dma_wait3A_154 : memref<1x112x16xf32, #tpu.memory_space<vmem>> -> memref<112x16xf32, #tpu.memory_space<vmem>>
    tpu.wait_dma2 semaphore(%dma_wait3A_149 : memref<!tpu.dma_semaphore, #tpu.memory_space<semaphore_mem>>) src(%dma_wait3A_155 : memref<112x16xf32, #tpu.memory_space<vmem>>) dst(%dma_wait3A_151 : memref<112x16xf32, #tpu.memory_space<hbm>>)
    %dma_wait3A_156 = arith.constant 0 : i32
    %dma_wait3A_157 = arith.constant 0 : i32
    %dma_wait3A_158 = arith.constant 0 : i32
    %dma_wait3A_159 = arith.constant 0 : i32
    %dma_wait3A_160 = tpu.memref_slice %arg18[%dma_wait3A_156, %dma_wait3A_158, %dma_wait3A_159] : memref<3x112x16xf32, #tpu.memory_space<vmem>> -> memref<1x112x16xf32, #tpu.memory_space<vmem>>
    %dma_wait3A_161 = tpu.memref_squeeze %dma_wait3A_160 : memref<1x112x16xf32, #tpu.memory_space<vmem>> -> memref<112x16xf32, #tpu.memory_space<vmem>>
    %dma_wait3A_162 = arith.constant 80 : i32
    %dma_wait3A_163 = tpu.memref_slice %arg10[%add3A_123, %dma_wait3A_162] : memref<229376x128xf32, #tpu.memory_space<hbm>> -> memref<112x16xf32, #tpu.memory_space<hbm>>
    %dma_wait3A_164 = tpu.memref_slice %arg22[%dma_wait3A_157] : memref<3x!tpu.dma_semaphore, #tpu.memory_space<semaphore_mem>> -> memref<1x!tpu.dma_semaphore, #tpu.memory_space<semaphore_mem>>
    %dma_wait3A_165 = tpu.memref_squeeze %dma_wait3A_164 : memref<1x!tpu.dma_semaphore, #tpu.memory_space<semaphore_mem>> -> memref<!tpu.dma_semaphore, #tpu.memory_space<semaphore_mem>>
    %dma_wait3A_166 = arith.constant 80 : i32
    %dma_wait3A_167 = tpu.memref_slice %arg10[%add3A_123, %dma_wait3A_166] : memref<229376x128xf32, #tpu.memory_space<hbm>> -> memref<112x16xf32, #tpu.memory_space<hbm>>
    %dma_wait3A_168 = arith.constant 0 : i32
    %dma_wait3A_169 = arith.constant 0 : i32
    %dma_wait3A_170 = tpu.memref_slice %arg18[%dma_wait3A_156, %dma_wait3A_168, %dma_wait3A_169] : memref<3x112x16xf32, #tpu.memory_space<vmem>> -> memref<1x112x16xf32, #tpu.memory_space<vmem>>
    %dma_wait3A_171 = tpu.memref_squeeze %dma_wait3A_170 : memref<1x112x16xf32, #tpu.memory_space<vmem>> -> memref<112x16xf32, #tpu.memory_space<vmem>>
    tpu.wait_dma2 semaphore(%dma_wait3A_165 : memref<!tpu.dma_semaphore, #tpu.memory_space<semaphore_mem>>) src(%dma_wait3A_171 : memref<112x16xf32, #tpu.memory_space<vmem>>) dst(%dma_wait3A_167 : memref<112x16xf32, #tpu.memory_space<hbm>>)
    %dma_wait3A_172 = arith.constant 0 : i32
    %dma_wait3A_173 = tpu.memref_slice %arg11[%mul3A_4, %dma_wait3A_172] : memref<4096x128xf32, #tpu.memory_space<hbm>> -> memref<128x64xf32, #tpu.memory_space<hbm>>
    %dma_wait3A_174 = arith.constant 0 : i32
    %dma_wait3A_175 = tpu.memref_slice %arg11[%mul3A_4, %dma_wait3A_174] : memref<4096x128xf32, #tpu.memory_space<hbm>> -> memref<128x64xf32, #tpu.memory_space<hbm>>
    tpu.wait_dma2 semaphore(%arg12 : memref<!tpu.dma_semaphore, #tpu.memory_space<semaphore_mem>>) src(%arg16 : memref<128x64xf32, #tpu.memory_space<vmem>>) dst(%dma_wait3A_175 : memref<128x64xf32, #tpu.memory_space<hbm>>)
    %dma_wait3A_176 = arith.constant 64 : i32
    %dma_wait3A_177 = tpu.memref_slice %arg11[%mul3A_4, %dma_wait3A_176] : memref<4096x128xf32, #tpu.memory_space<hbm>> -> memref<128x64xf32, #tpu.memory_space<hbm>>
    %dma_wait3A_178 = arith.constant 64 : i32
    %dma_wait3A_179 = tpu.memref_slice %arg11[%mul3A_4, %dma_wait3A_178] : memref<4096x128xf32, #tpu.memory_space<hbm>> -> memref<128x64xf32, #tpu.memory_space<hbm>>
    tpu.wait_dma2 semaphore(%arg12 : memref<!tpu.dma_semaphore, #tpu.memory_space<semaphore_mem>>) src(%arg20 : memref<128x64xf32, #tpu.memory_space<vmem>>) dst(%dma_wait3A_179 : memref<128x64xf32, #tpu.memory_space<hbm>>)
    return
  }
}

module attributes {stable_mosaic.version = 14 : i64} {
  func.func @body(%arg0: i32, %arg1: memref<128x56x128xf32, #tpu.memory_space<vmem>>, %arg2: memref<128x128xf32, #tpu.memory_space<vmem>>, %arg3: memref<128x50x96xf32, #tpu.memory_space<vmem>>, %arg4: memref<128x50x192xf32, #tpu.memory_space<vmem>>) attributes {dimension_semantics = [#tpu.dimension_semantics<arbitrary>], iteration_bounds = array<i64: 32>, scalar_prefetch = 0 : i64, scratch_operands = 0 : i64, tpu.core_type = #tpu.core_type<tc>, window_params = [{transform_indices = @transform_0, window_bounds = array<i64: 128, 56, 128>}, {transform_indices = @transform_1, window_bounds = array<i64: 128, 128>}, {transform_indices = @transform_2, window_bounds = array<i64: 128, 50, 96>}, {transform_indices = @transform_3, window_bounds = array<i64: 128, 50, 192>}]} {
    %get3A = arith.constant 0 : index
    %get3A_0 = arith.constant 0 : index
    %get3A_1 = arith.constant 0 : index
    %get3A_2 = vector.load %arg1[%get3A, %get3A_0, %get3A_1] : memref<128x56x128xf32, #tpu.memory_space<vmem>>, vector<128x50x128xf32>
    %get3A_3 = arith.constant 0 : index
    %get3A_4 = arith.constant 0 : index
    %get3A_5 = vector.load %arg2[%get3A_3, %get3A_4] : memref<128x128xf32, #tpu.memory_space<vmem>>, vector<128x128xf32>
    %slice3A = vector.extract_strided_slice %get3A_2 {offsets = [0, 0, 0], sizes = [128, 50, 96], strides = [1, 1, 1]} : vector<128x50x128xf32> to vector<128x50x96xf32>
    %swap3A = arith.constant 0 : index
    %swap3A_6 = arith.constant 0 : index
    %swap3A_7 = arith.constant 0 : index
    %swap3A_8 = vector.load %arg3[%swap3A, %swap3A_6, %swap3A_7] : memref<128x50x96xf32, #tpu.memory_space<vmem>>, vector<128x50x96xf32>
    tpu.vector_store %arg3[%swap3A, %swap3A_6, %swap3A_7], %slice3A {strides = array<i32>} : memref<128x50x96xf32, #tpu.memory_space<vmem>>, vector<128x50x96xf32>,
    %slice3A_9 = vector.extract_strided_slice %get3A_5 {offsets = [0, 0], sizes = [128, 64], strides = [1, 1]} : vector<128x128xf32> to vector<128x64xf32>
    %broadcast_in_dim3A = vector.shape_cast %slice3A_9 : vector<128x64xf32> to vector<128x1x64xf32>
    %broadcast_in_dim3A_10 = vector.shape_cast %broadcast_in_dim3A : vector<128x1x64xf32> to vector<128x1x64xf32>
    %broadcast_in_dim3A_11 = vector.broadcast %broadcast_in_dim3A_10 : vector<128x1x64xf32> to vector<128x50x64xf32>
    %slice3A_12 = vector.extract_strided_slice %get3A_5 {offsets = [0, 64], sizes = [128, 64], strides = [1, 1]} : vector<128x128xf32> to vector<128x64xf32>
    %broadcast_in_dim3A_13 = vector.shape_cast %slice3A_12 : vector<128x64xf32> to vector<128x1x64xf32>
    %broadcast_in_dim3A_14 = vector.shape_cast %broadcast_in_dim3A_13 : vector<128x1x64xf32> to vector<128x1x64xf32>
    %broadcast_in_dim3A_15 = vector.broadcast %broadcast_in_dim3A_14 : vector<128x1x64xf32> to vector<128x50x64xf32>
    %slice3A_16 = vector.extract_strided_slice %get3A_2 {offsets = [0, 0, 0], sizes = [128, 50, 64], strides = [1, 1, 1]} : vector<128x50x128xf32> to vector<128x50x64xf32>
    %concatenate3A = tpu.concatenate %slice3A_16, %broadcast_in_dim3A_11, %broadcast_in_dim3A_15 in 2 : vector<128x50x64xf32>, vector<128x50x64xf32>, vector<128x50x64xf32> -> vector<128x50x192xf32>
    %swap3A_17 = arith.constant 0 : index
    %swap3A_18 = arith.constant 0 : index
    %swap3A_19 = arith.constant 0 : index
    %swap3A_20 = vector.load %arg4[%swap3A_17, %swap3A_18, %swap3A_19] : memref<128x50x192xf32, #tpu.memory_space<vmem>>, vector<128x50x192xf32>
    tpu.vector_store %arg4[%swap3A_17, %swap3A_18, %swap3A_19], %concatenate3A {strides = array<i32>} : memref<128x50x192xf32, #tpu.memory_space<vmem>>, vector<128x50x192xf32>,
    return
  }
  func.func @transform_0(%arg0: i32) -> (i32, i32, i32) {
    %c0_i32 = arith.constant 0 : i32
    %c0_i32_0 = arith.constant 0 : i32
    %c0_i32_1 = arith.constant 0 : i32
    return %arg0, %c0_i32, %c0_i32_0 : i32, i32, i32
  }
  func.func @transform_1(%arg0: i32) -> (i32, i32) {
    %c0_i32 = arith.constant 0 : i32
    %c0_i32_0 = arith.constant 0 : i32
    return %arg0, %c0_i32 : i32, i32
  }
  func.func @transform_2(%arg0: i32) -> (i32, i32, i32) {
    %c0_i32 = arith.constant 0 : i32
    %c0_i32_0 = arith.constant 0 : i32
    %c0_i32_1 = arith.constant 0 : i32
    return %arg0, %c0_i32, %c0_i32_0 : i32, i32, i32
  }
  func.func @transform_3(%arg0: i32) -> (i32, i32, i32) {
    %c0_i32 = arith.constant 0 : i32
    %c0_i32_0 = arith.constant 0 : i32
    %c0_i32_1 = arith.constant 0 : i32
    return %arg0, %c0_i32, %c0_i32_0 : i32, i32, i32
  }
}

</mosaic_0001>

<sc_bundles>
// kernel: kernel.4.cloned.1.call-start
scs
__scs_entry_jumppad:
0x0: {  	(pc) =	sbr.rel $0x88, $3  }
0x1: {  	(tag) =	ssettag $0x0;
	lr =	simm.s32 $0x1  }
0x2: {  	[smem:$0x3F99] =	sst lr;
	_ =	strace $0xD0000000  }
0x3: {  	_ = 	snop  }
0x4: {  	_ = 	snop  }
0x5: {  	_ = 	snop  }
0x6: {  	_ = 	snop  }
0x7: {  	_ = 	snop  }
__scs_overlays_trampoline_lowered:
0x8: {  	[smem:$0x3FA8] =	sst s0  }
0x9: {  	[smem:$0x3FA9] =	sst s1  }
0xa: {  	[smem:$0x3FAA] =	sst s2  }
0xb: {  	[smem:$0x3FAB] =	sst s3  }
0xc: {  	[smem:$0x3FAC] =	sst s4  }
0xd: {  	[smem:$0x3FAD] =	sst s5  }
0xe: {  	[smem:$0x3FAE] =	sst s6  }
0xf: {  	[smem:$0x3FAF] =	sst s7  }
0x10: {  	[smem:$0x3FB0] =	sst s8  }
0x11: {  	[smem:$0x3FB1] =	sst s9;
	s0 =	simm.s32 @!p0 $0x0  }
0x12: {  	s1 =	sld [smem:$0x3F97];
	s0 =	simm.s32 @p0 $0x1  }
0x13: {  	[smem:$0x3FB2] =	sst s0;
	s0 =	simm.s32 @!p1 $0x0  }
0x14: {  	s2 =	sld [smem:$0x3F96];
	s0 =	simm.s32 @p1 $0x1  }
0x15: {  	[smem:$0x3FB3] =	sst s0;
	s0 =	simm.s32 @!p2 $0x0  }
0x16: {  	s3 =	sld [smem:$0x3FDB];
	s0 =	simm.s32 @p2 $0x1  }
0x17: {  	s4 =	simm.s32 $0x1BF5;
	[smem:$0x3FB5] =	sst s0  }
0x18: {  	s0 =	sld [smem:$0x3F98];
	_ =	swait.ge [sflag:s4], $0x0  }
0x19: {  	s7 =	sld [smem:$0x3F99]  }
0x1a: {  	s8 =	sadd.s32 $0xFFFFE003, lr  }
0x1b: {  	s9 =	sadd.s32 $0xFFFFFEF7, lr;
	s5 =	simm.s32 $0xFFFFFFFF;
	p2 =	slt.u32 s8, $0xFFFFF086  }
0x1c: {  	p1 =	slt.u32 s9, $0xF7A;
	s5 =	simm.s32 @!p2 $0x0  }
0x1d: {  	s5 =	simm.s32 @p1 $0x1;
	p0 =	seq.s32 s7, s2  }
0x1e: {  	s7 =	smul.u32 @!p0 $0xF7A, s2;
	p2 =	seq.s32 @!p0 s5, $0x0  }
0x1f: {  	s9 =	smul.u32 $0xF7A, s1;
	s8 =	simm.s32 @!p0 $0x1BF5;
	p2 =	por !p2, p0  }
0x20: {  	[sflag:s8] =	ssyncset.s32 @!p0 $0xFFFFF086;
	s6 =	sadd.s32 @!p0 s3, s7;
	s7 =	simm.s32 @!p0 $0x108  }
0x21: {  	s3 =	sadd.s32 s3, s9;
	s6 =	sadd.s32 @!p0 $0x88, s6;
	s7 =	simm.s32 @p2 $0x1082  }
0x22: {  	[simem:s7], [sflag:s8] =	dma.local @!p0 [hbm:s6], $0xF7A  }
0x23: {  	s9 =	sor.u32 $0xD0000000, s2;
	s6 =	simm.s32 $0x108;
	_ =	swait.ge @!p0 [sflag:s8], $0x0  }
0x24: {  	s3 =	sadd.s32 $0x88, s3;
	s6 =	simm.s32 @!p1 $0x1082;
	[sflag:s4] =	ssyncset.s32 $0xFFFFF086  }
0x25: {  	[simem:s6], [sflag:s4] =	dma.local [hbm:s3], $0xF7A  }
0x26: {  	[smem:$0x3F99] =	sst s1;
	(tag) =	ssettag s2;
	_ =	strace s9  }
0x27: {  	s1 =	sld [smem:$0x3FA9]  }
0x28: {  	s2 =	sld [smem:$0x3FAA]  }
0x29: {  	s4 =	sld [smem:$0x3FAC]  }
0x2a: {  	p0 =	seq.s32 s5, $0x0;
	s5 =	sld [smem:$0x3FAD]  }
0x2b: {  	s6 =	sld [smem:$0x3FAE]  }
0x2c: {  	s7 =	sld [smem:$0x3FAF]  }
0x2d: {  	s3 =	simm.s32 $0x108;
	s8 =	sld [smem:$0x3FB0]  }
0x2e: {  	s3 =	simm.s32 @!p0 $0x1082;
	s9 =	sld [smem:$0x3FB1]  }
0x2f: {  	lr =	sadd.s32 s0, s3;
	s0 =	sld [smem:$0x3FA8]  }
0x30: {  	s3 =	sld [smem:$0x3FAB]  }
0x31: {  	[smem:$0x3FB4] =	sst s10  }
0x32: {  	s10 =	sld [smem:$0x3FB2];
	_ =	sdelay $0x3  }
0x33: {  	p0 =	seq.s32 s10, $0x1;
	s10 =	sld [smem:$0x3FB4];
	_ =	sdelay $0x3  }
0x34: {  	[smem:$0x3FB4] =	sst s10  }
0x35: {  	s10 =	sld [smem:$0x3FB3];
	_ =	sdelay $0x3  }
0x36: {  	p1 =	seq.s32 s10, $0x1;
	s10 =	sld [smem:$0x3FB4];
	_ =	sdelay $0x3  }
0x37: {  	[smem:$0x3FB4] =	sst s10  }
0x38: {  	s10 =	sld [smem:$0x3FB5]  }
0x39: {  	_ = 	snop;
	(pc) =	sbr.ind lr, $3  }
0x3a: {  	_ = 	snop  }
0x3b: {  	_ = 	snop  }
0x3c: {  	p2 =	seq.s32 s10, $0x1;
	s10 =	sld [smem:$0x3FB4]  }
0x3d: {  	_ =	shalt  }
0x3e: {  	_ =	shalt  }
0x3f: {  	_ =	shalt  }
0x40: {  	_ =	shalt  }
0x41: {  	_ =	shalt  }
0x42: {  	_ =	shalt  }
0x43: {  	_ =	shalt  }
0x44: {  	_ =	shalt  }
0x45: {  	_ =	shalt  }
0x46: {  	_ =	shalt  }
0x47: {  	_ =	shalt  }
0x48: {  	_ =	shalt  }
0x49: {  	_ =	shalt  }
0x4a: {  	_ =	shalt  }
0x4b: {  	_ =	shalt  }
0x4c: {  	_ =	shalt  }
0x4d: {  	_ =	shalt  }
0x4e: {  	_ =	shalt  }
0x4f: {  	_ =	shalt  }
0x50: {  	_ =	shalt  }
0x51: {  	_ =	shalt  }
0x52: {  	_ =	shalt  }
0x53: {  	_ =	shalt  }
0x54: {  	_ =	shalt  }
0x55: {  	_ =	shalt  }
0x56: {  	_ =	shalt  }
0x57: {  	_ =	shalt  }
0x58: {  	_ =	shalt  }
0x59: {  	_ =	shalt  }
0x5a: {  	_ =	shalt  }
0x5b: {  	_ =	shalt  }
0x5c: {  	_ =	shalt  }
0x5d: {  	_ =	shalt  }
0x5e: {  	_ =	shalt  }
0x5f: {  	_ =	shalt  }
0x60: {  	_ =	shalt  }
0x61: {  	_ =	shalt  }
0x62: {  	_ =	shalt  }
0x63: {  	_ =	shalt  }
0x64: {  	_ =	shalt  }
0x65: {  	_ =	shalt  }
0x66: {  	_ =	shalt  }
0x67: {  	_ =	shalt  }
0x68: {  	_ =	shalt  }
0x69: {  	_ =	shalt  }
0x6a: {  	_ =	shalt  }
0x6b: {  	_ =	shalt  }
0x6c: {  	_ =	shalt  }
0x6d: {  	_ =	shalt  }
0x6e: {  	_ =	shalt  }
0x6f: {  	_ =	shalt  }
0x70: {  	_ =	shalt  }
0x71: {  	_ =	shalt  }
0x72: {  	_ =	shalt  }
0x73: {  	_ =	shalt  }
0x74: {  	_ =	shalt  }
0x75: {  	_ =	shalt  }
0x76: {  	_ =	shalt  }
0x77: {  	_ =	shalt  }
0x78: {  	_ =	shalt  }
0x79: {  	_ =	shalt  }
0x7a: {  	_ =	shalt  }
0x7b: {  	_ =	shalt  }
0x7c: {  	_ =	shalt  }
0x7d: {  	_ =	shalt  }
0x7e: {  	_ =	shalt  }
0x7f: {  	_ =	shalt  }
0x80: {  	_ =	shalt  }
0x81: {  	_ =	shalt  }
0x82: {  	_ =	shalt  }
0x83: {  	_ =	shalt  }
0x84: {  	_ =	shalt  }
0x85: {  	_ =	shalt  }
0x86: {  	_ =	shalt  }
0x87: {  	_ =	shalt  }
.Lfunc_end0:
.L_simem_size_0:
called_computation.1_lowered:
.L_overlay_start_0:
0x88: {  	s2 =	sld [smem:$0x3FD9]  }
0x89: {  	s3 =	sld [smem:$0x3FFE];
	_ =	sdelay $0x1  }
0x8a: {  	s1 =	srdreg.scid  }
0x8b: {  	s0 =	sand.u32 $0x1, s1  }
0x8c: {  	s14 =	sshll.u32 s0, $0xA;
	s2 =	sadd.s32 s3, s2  }
0x8d: {  	s2 =	sadd.s32 s2, s14  }
0x8e: {  	[smem:$0x3FC0] =	sst s2  }
0x8f: {  	_ = 	snop  }
0x90: {  	s2 =	sld [smem:$0x3FD0];
	_ =	sdelay $0x1  }
0x91: {  	s15 =	sld [smem:$0x3FC3]  }
0x92: {  	s5 =	simm.s32 $0xA;
	s6 =	simm.s32 $0x10;
	s4 =	sld [smem:$0x3FC2]  }
0x93: {  	[smem:s6], [sflag:s5] =	dma.local [hbm:s2], $0x1  }
0x94: {  	_ =	swait.eq [sflag:s5], $0x1  }
0x95: {  	[sflag:s5] =	ssyncset.done $0x0  }
0x96: {  	s16 =	sld [smem:$0x10];
	[sflag:s5] =	ssyncadd.s32 $0xFFFFFFFF  }
0x97: {  	s17 =	sld [smem:$0x11];
	(tm) =	ssettm $0x1  }
0x98: {  	s18 =	sld [smem:$0x3FFB];
	_ =	sdelay $0x3  }
0x99: {  	_ =	strace s18  }
0x9a: {  	s6 =	sld [smem:$0x3FFC];
	_ =	sdelay $0x3  }
0x9b: {  	_ =	strace s6  }
0x9c: {  	s6 =	sld [smem:$0x3FFD];
	_ =	sdelay $0x3  }
0x9d: {  	_ =	strace s6  }
0x9e: {  	_ =	strace $0x8FFFFFFF  }
0x9f: {  	s19 =	sld [smem:$0x3FDB];
	_ =	sdelay $0x1  }
0xa0: {  	s7 =	simm.s32 $_scs_section_size  }
0xa1: {  	s8 =	simm.s32 $_size__tile_overlayer_lowered;
	s9 =	simm.s32 $_tile_overlayer_lowered  }
0xa2: {  	s22 =	simm.s32 $0x1BFF;
	s21 =	sshll.u32 s9, $0x1;
	s6 =	sadd.s32 s7, s19  }
0xa3: {  	s10 =	simm.s32 $0x0;
	s20 =	sshll.u32 s8, $0x1;
	s8 =	sadd.s32 s21, s6  }
0xa4: {  	[timem:s10], [sflag:s22] =	dma.local [hbm:s8], s20  }
0xa5: {  	_ =	swait.ge [sflag:s22], s20  }
0xa6: {  	s7 =	ssub.s32 $0x0, s20;
	[sflag:s22] =	ssyncset.done $0x0  }
0xa7: {  	[sflag:s22] =	ssyncadd.s32 s7;
	_ =	sdelay $0x1  }
0xa8: {  	s23 =	simm.s32 $0x1B8B  }
0xa9: {  	_ =	swait.ge [sflag:s23], $0x1  }
0xaa: {  	[sflag:s23] =	ssyncset.done $0x0  }
0xab: {  	s25 =	simm.s32 $0x1B8E;
	s24 =	sld [smem:$0x3FFE];
	[sflag:s23] =	ssyncadd.s32 $0xFFFFFFFF  }
0xac: {  	s26 =	simm.s32 $execute0_lowered;
	[smem:$0x3FD2] =	sst s25  }
0xad: {  	s8 =	sshll.u32 s26, $0x1;
	_ =	strace $0x80000046;
	[dreg:$0x1] =	wrdreg $0xFFFFFFFF  }
0xae: {  	s28 =	simm.s32 $_size_execute0_lowered;
	s6 =	sadd.s32 s6, s8;
	[dreg:$0x0] =	wrdreg $0x0  }
0xaf: {  	s8 =	sshll.u32 s28, $0x1;
	[dreg:$0x2] =	wrdreg s6  }
0xb0: {  	[dreg:$0x3] =	wrdreg s8  }
0xb1: {  	[dreg:$0x4] =	wrdreg $0xC0  }
0xb2: {  	_ =	task [dreg:s10], $0x5FFFF  }
0xb3: {  	[dreg:$0x1] =	wrdreg $0xFFFFFFFF  }
0xb4: {  	[dreg:$0x0] =	wrdreg $0x60  }
0xb5: {  	[dreg:$0x2] =	wrdreg s24  }
0xb6: {  	[dreg:$0x3] =	wrdreg s15  }
0xb7: {  	[dreg:$0x4] =	wrdreg s4  }
0xb8: {  	[dreg:$0x5] =	wrdreg s17  }
0xb9: {  	[dreg:$0x6] =	wrdreg s16  }
0xba: {  	[dreg:$0x7] =	wrdreg $0x9  }
0xbb: {  	_ =	task.clear_ibuf [dreg:s10], $0x8FFFF;
	_ =	strace $0x90000046  }
0xbc: {  	s29 =	simm.s32 $0x9;
	_ =	strace $0x80000048  }
0xbd: {  	_ =	swait.ge [sflag:s29], $0x1  }
0xbe: {  	[sflag:s29] =	ssyncadd.s32 $0xFFFFFFFF  }
0xbf: {  	_ =	strace $0x90000048  }
0xc0: {  	_ =	sfence  }
0xc1: {  	s30 =	sld [smem:$0x0];
	_ =	sdelay $0x2  }
0xc2: {  	s31 =	sshll.u32 s1, $0xD;
	s1 =	sshrl.u32 s1, $0x2  }
0xc3: {  	s3 =	sand.u32 $0x4000, s31;
	s1 =	sadd.s32 s1, s30  }
0xc4: {  	s0 =	sor.u32 s3, s0;
	s1 =	sshll.u32 s1, $0x11  }
0xc5: {  	s0 =	sor.u32 s1, s0  }
0xc6: {  	s0 =	sadd.s32 $0x8F2B, s0  }
0xc7: {  	[sflag:s0] =	ssyncadd.remote.s32 $0x1  }
0xc8: {  	_ =	sfence.sel $0xFFFF  }
0xc9: {  	[dreg:$0x0] =	wrdreg $0xFFFFFFFF;
	(pc) =	sbr.abs _section_cstart, $3  }
0xca: {  	[dreg:$0x1] =	wrdreg $0xFFFFFFFF  }
0xcb: {  	_ =	task.clear_ibuf [dreg:s10], $0x2FFFF;
	_ =	strace $0x9FFFFFFF  }
0xcc: {  	(tm) =	ssettm $0x7FFFFFFF  }
0xcd: {  	_ =	shalt  }
tec
execute0_lowered:
.L_overlay_start_1:
0x0: {  	(tag) =	ssettag $0x1  }
0x1: {  	s0 =	rddreg [dreg:$0x0]  }
0x2: {  	s1 =	rddreg [dreg:$0x1]  }
0x3: {  	s6 =	rddreg [dreg:$0x2]  }
0x4: {  	s7 =	rddreg [dreg:$0x3];
	s2 =	srdreg.scid  }
0x5: {  	s14 =	stileid.u32;
	s8 =	rddreg [dreg:$0x4];
	s15 =	simm.s32 $0x8  }
0x6: {  	s29 =	simm.s32 $0x10;
	s30 =	simm.s32 $0x7;
	s9 =	sand.u32 $0x1, s2  }
0x7: {  	s3 =	sshll.u32 s14, $0x1;
	s2 =	simm.s32 $0x0;
	s4 =	sadd.s32 $0x1000, s0  }
0x8: {  	s23 =	smul.u32 $0x38000, s14;
	s10 =	sor.u32 s9, s3;
	[smem:$0x7FF] =	sst s2  }
0x9: {  	s3 =	sadd.s32 $0x17000, s0;
	s11 =	ssub.s32 $0x2, s9;
	s9 =	smul.u32 $0x1C000, s9  }
0xa: {  	s5 =	smul.u32 $0x1C00, s10;
	_ =	strace $0x80000047;
	s13 =	sshrl.u32 s11, $0x1  }
0xb: {  	s24 =	sshll.u32 s10, $0x4;
	s25 =	sshll.u32 s10, $0xB;
	s7 =	sadd.s32 s23, s7  }
0xc: {  	s20 =	ssub.s32 s11, s13;
	s1 =	sadd.s32 s1, s24;
	s11 =	sadd.s32 s8, s25  }
0xd: {  	s26 =	sadd.s32 s9, s7;
	s12 =	sshrl.u32 s5, $0x3;
	[dreg:$0xa] =	wrdreg s1  }
0xe: {  	s5 =	sadd.s32 $0x1800, s0;
	s1 =	sadd.s32 $0x8, s11;
	[dreg:$0x6] =	wrdreg s26  }
0xf: {  	s28 =	smax.u32 s20, $0x1;
	s0 =	sadd.s32 s12, s0;
	[dreg:$0xc] =	wrdreg s1  }
0x10: {  	s31 =	simm.s32 $0x5;
	[dreg:$0xd] =	wrdreg s28;
	s21 =	sadd.s32 $0x2000, s0  }
0x11: {  	s23 =	simm.s32 $0x1;
	s22 =	sadd.s32 $0x9000, s0;
	[dreg:$0x7] =	wrdreg s21  }
0x12: {  	s25 =	simm.s32 $0x70;
	s0 =	sadd.s32 $0x10000, s0;
	[dreg:$0x8] =	wrdreg s22  }
0x13: {  	s20 =	simm.s32 $0x80;
	[dreg:$0x9] =	wrdreg s0;
	s0 =	sadd.s32 s6, s24  }
0x14: {  	s1 =	simm.s32 $0x0;
	s24 =	simm.s32 $0x40;
	[dreg:$0xb] =	wrdreg s0  }
.LBB2_1:
0x15: {  	s0 =	rddreg [dreg:$0x7];
	s6 =	simm.s32 $0xA300  }
0x16: {  	[tilespmem:s6], [sflag:$0x8] =	stream.linear.gather [hbm4b:s0+s2], $0x1C00, $0x38;
	[tilespmem:$0x11300] =	vst v63  }
0x17: {  	_ =	swait.ge [sflag:s15], $0x1C00  }
0x18: {  	[sflag:s15] =	ssyncset.done $0x0  }
0x19: {  	s7 =	simm.s32 $0x3580;
	s17 =	rddreg [dreg:$0x8];
	[sflag:s15] =	ssyncadd.s32 $0xFFFFE400  }
0x1a: {  	[tilespmem:s7], [sflag:$0x8] =	stream.linear.gather [hbm4b:s17+s2], $0x1C00, $0x38;
	[tilespmem:$0x11300] =	vst v63  }
0x1b: {  	_ =	swait.ge [sflag:s15], $0x1C00  }
0x1c: {  	[sflag:s15] =	ssyncset.done $0x0  }
0x1d: {  	s8 =	simm.s32 $0x8700;
	s18 =	rddreg [dreg:$0x9];
	[sflag:s15] =	ssyncadd.s32 $0xFFFFE400  }
0x1e: {  	[tilespmem:s8], [sflag:$0x8] =	stream.linear.gather [hbm4b:s18+s2], $0x1C00, $0x38;
	[tilespmem:$0x11300] =	vst v63  }
0x1f: {  	_ =	swait.ge [sflag:s15], $0x1C00  }
0x20: {  	[sflag:s15] =	ssyncset.done $0x0  }
0x21: {  	s9 =	simm.s32 $0x1500;
	s19 =	rddreg [dreg:$0xa];
	[sflag:s15] =	ssyncadd.s32 $0xFFFFE400  }
0x22: {  	[tilespmem:s9], [sflag:$0x8] =	stream.linear.gather [hbm4b:s19+s2], $0x80, $0x38;
	[tilespmem:$0x11300] =	vst v63  }
0x23: {  	_ =	swait.ge [sflag:s15], $0x80  }
0x24: {  	[sflag:s15] =	ssyncset.done $0x0  }
0x25: {  	s10 =	simm.s32 $0x6680;
	s21 =	rddreg [dreg:$0xb];
	[sflag:s15] =	ssyncadd.s32 $0xFFFFFF80  }
0x26: {  	[tilespmem:s10], [sflag:$0x8] =	stream.linear.gather [hbm4b:s21+s2], $0x80, $0x38;
	[tilespmem:$0x11300] =	vst v63  }
0x27: {  	_ =	swait.ge [sflag:s15], $0x80  }
0x28: {  	[sflag:s15] =	ssyncset.done $0x0  }
0x29: {  	s22 =	simm.s32 $0x1580;
	[sflag:s15] =	ssyncadd.s32 $0xFFFFFF80  }
0x2a: {  	[tilespmem:s22], [sflag:$0x1] =	stream.indirect.gather [hbm4b:s3+s20], $0x40, s9, s20, $0xb8;
	[tilespmem:$0x11300] =	vst v63  }
0x2b: {  	s26 =	simm.s32 $0x6700  }
0x2c: {  	[tilespmem:s26], [sflag:$0x1] =	stream.indirect.gather [hbm4b:s3+s20], $0x40, s10, s20, $0xb8;
	[tilespmem:$0x11300] =	vst v63  }
0x2d: {  	_ =	swait.ge [sflag:s23], $0x2000  }
0x2e: {  	[sflag:s23] =	ssyncset.done $0x0  }
0x2f: {  	[sflag:s23] =	ssyncadd.s32 $0xFFFFE000  }
0x30: {  	_ =	swait.ge [sflag:s23], $0x2000  }
0x31: {  	[sflag:s23] =	ssyncset.done $0x0  }
0x32: {  	[sflag:s23] =	ssyncadd.s32 $0xFFFFE000  }
0x33: {  	[hbm4b:s11+s24] =	stream.strided.scatter [tilespmem:s22], [sflag:$0x1], $0x2000, s20, s24, $0x38;
	[tilespmem:$0x11300] =	vst v63  }
0x34: {  	s13 =	smul.u32 $0xAB, s2;
	s10 =	rddreg [dreg:$0xc]  }
0x35: {  	[hbm4b:s10+s24] =	stream.strided.scatter [tilespmem:s26], [sflag:$0x1], $0x2000, s20, s24, $0x38;
	[tilespmem:$0x11300] =	vst v63  }
0x36: {  	s12 =	simm.s32 $0xBF00;
	s14 =	sadd.s32 $0xAB, s13  }
0x37: {  	[tilespmem:s12], [sflag:$0x2] =	stream.indirect.gather [hbm4b:s3+s25], $0x40, s6, s25, $0xb8;
	[tilespmem:$0x11300] =	vst v63  }
0x38: {  	s6 =	sshrl.u32 s14, $0x9  }
0x39: {  	s6 =	sand.u32 $0x7F, s6  }
0x3a: {  	[tilespmem:s2], [sflag:$0x2] =	stream.indirect.gather [hbm4b:s4+s25], $0x10, s7, s25, $0xb8;
	[tilespmem:$0x11300] =	vst v63  }
0x3b: {  	s16 =	simm.s32 $0x5180;
	s6 =	smul.u32 $0x3, s6  }
0x3c: {  	[tilespmem:s16], [sflag:$0x2] =	stream.indirect.gather [hbm4b:s5+s25], $0x10, s8, s25, $0xb8;
	[tilespmem:$0x11300] =	vst v63  }
0x3d: {  	p0 =	por $0x0, $0x0;
	s6 =	ssub.s32 $0x0, s6  }
0x3e: {  	p1 =	por @!p0 $0x1, $0x1;
	p0 =	por p0, p0;
	s6 =	sadd.s32 $0x1, s6  }
0x3f: {  	p1 =	por p1, p0;
	s6 =	sand.u32 $0xFF, s6  }
0x40: {  	s0 =	sshrl.u32 s13, $0x9;
	s7 =	sadd.s32 @!p1 $0x5, s6  }
0x41: {  	s0 =	sand.u32 $0x7F, s0;
	_ =	swait.ge @!p1 [sflag:s7], $0x1C00  }
0x42: {  	s0 =	smul.u32 $0x3, s0;
	[sflag:s7] =	ssyncset.done @!p1 $0x0  }
0x43: {  	[sflag:s7] =	ssyncadd.s32 @!p1 $0xFFFFE400  }
0x44: {  	s28 =	simm.s32 $0x87E0;
	s0 =	ssub.s32 $0x0, s0;
	_ =	swait.ge @!p1 [sflag:s7], $0x700  }
0x45: {  	s17 =	sand.u32 $0xFF, s0;
	s0 =	simm.s32 $0x8770;
	[sflag:s7] =	ssyncset.done @!p1 $0x0  }
0x46: {  	s18 =	sadd.s32 $0x2, s17;
	s8 =	smul.u32 @!p0 $0x7000, s6;
	[sflag:s7] =	ssyncadd.s32 @!p1 $0xFFFFF900  }
0x47: {  	s9 =	simm.s32 $0xA370;
	s10 =	simm.s32 @!p0 $0x70;
	_ =	swait.ge @!p1 [sflag:s7], $0x700  }
0x48: {  	s12 =	smul.u32 @!p0 $0x700, s6;
	s8 =	sshrl.u32 @!p0 s8, $0x2;
	[sflag:s7] =	ssyncset.done @!p1 $0x0  }
0x49: {  	s6 =	sadd.s32 @!p0 $0x2, s6;
	[sflag:s7] =	ssyncadd.s32 @!p1 $0xFFFFF900;
	s7 =	sadd.s32 @!p0 $0xBF00, s8  }
0x4a: {  	[tilespmem:s7], [sflag:s6] =	stream.indirect.gather @!p0 [hbm4b:s3+s10], $0x40, s9, s10, $0xb8;
	[tilespmem:$0x11300] =	vst v63  }
0x4b: {  	s19 =	smul.u32 $0x7000, s17;
	s21 =	simm.s32 $0x1;
	s7 =	simm.s32 $0x35F0  }
0x4c: {  	[tilespmem:s12], [sflag:s6] =	stream.indirect.gather @!p0 [hbm4b:s4+s10], $0x10, s7, s10, $0xb8;
	[tilespmem:$0x11300] =	vst v63  }
0x4d: {  	s26 =	simm.s32 $0xA3E0;
	s16 =	smul.u32 $0x700, s17;
	s7 =	sadd.s32 @!p0 $0x5180, s12  }
0x4e: {  	[tilespmem:s7], [sflag:s6] =	stream.indirect.gather @!p0 [hbm4b:s5+s10], $0x10, s0, s10, $0xb8;
	[tilespmem:$0x11300] =	vst v63  }
0x4f: {  	s17 =	sadd.s32 $0x5, s17;
	s8 =	simm.s32 $0x2;
	s0 =	simm.s32 $0x700  }
0x50: {  	p0 =	por $0x0, $0x0;
	s7 =	simm.s32 $0xE00;
	_ =	swait.ge [sflag:s18], $0x1C00  }
0x51: {  	s6 =	sshrl.u32 s19, $0x2;
	s10 =	smul.u32 $0xAB, s21;
	[sflag:s18] =	ssyncset.done $0x0  }
0x52: {  	p1 =	por @!p0 $0x1, $0x1;
	p0 =	por p0, p0;
	[sflag:s18] =	ssyncadd.s32 $0xFFFFE400  }
0x53: {  	s6 =	sadd.s32 $0xBF00, s6;
	s22 =	sshrl.u32 s10, $0x9;
	_ =	swait.ge [sflag:s18], $0x700  }
0x54: {  	s10 =	sadd.s32 $0xAB, s10;
	p1 =	por p1, p0;
	[sflag:s18] =	ssyncset.done $0x0  }
0x55: {  	s12 =	sand.u32 $0x7F, s22;
	s10 =	sshrl.u32 s10, $0x9;
	[sflag:s18] =	ssyncadd.s32 $0xFFFFF900  }
0x56: {  	s14 =	smul.u32 $0x3, s12;
	s10 =	sand.u32 $0x7F, s10;
	_ =	swait.ge [sflag:s18], $0x700  }
0x57: {  	s10 =	smul.u32 $0x3, s10;
	s13 =	rddreg [dreg:$0x6];
	[sflag:s18] =	ssyncset.done $0x0  }
0x58: {  	s14 =	ssub.s32 $0x1, s14;
	[sflag:s18] =	ssyncadd.s32 $0xFFFFF900;
	s12 =	sadd.s32 $0x0, s13  }
0x59: {  	[hbm4b:s12+s24] =	stream.strided.scatter [tilespmem:s6], [sflag:s17], $0x1C00, s20, s24, $0x38;
	[tilespmem:$0x11300] =	vst v63  }
0x5a: {  	s10 =	ssub.s32 $0x1, s10;
	s13 =	sadd.s32 $0x5180, s16;
	s6 =	simm.s32 $0x3660  }
.LBB2_2:
0x5b: {  	s18 =	sadd.s32 $0x1, s10  }
0x5c: {  	s19 =	sadd.s32 $0x8, s12;
	s18 =	sand.u32 $0xFF, s18  }
0x5d: {  	[hbm4b:s19+s29] =	stream.strided.scatter [tilespmem:s16], [sflag:s17], $0x700, s20, s29, $0x38;
	[tilespmem:$0x11300] =	vst v63  }
0x5e: {  	s22 =	sadd.s32 $0xA, s12;
	s16 =	sadd.s32 @!p1 $0x5, s18  }
0x5f: {  	[hbm4b:s22+s29] =	stream.strided.scatter [tilespmem:s13], [sflag:s17], $0x700, s20, s29, $0x38;
	[tilespmem:$0x11300] =	vst v63  }
0x60: {  	p3 =	seq.s32 s7, $0x1B900;
	_ =	swait.ge @!p1 [sflag:s16], $0x1C00  }
0x61: {  	s14 =	sand.u32 $0xFF, s14;
	s9 =	smov.u32 s0;
	[sflag:s16] =	ssyncset.done @!p1 $0x0  }
0x62: {  	s0 =	smov.u32 s7;
	s10 =	smov.u32 s8;
	[sflag:s16] =	ssyncadd.s32 @!p1 $0xFFFFE400  }
0x63: {  	s7 =	sadd.s32 $0x700, s7;
	s19 =	smul.u32 @!p0 $0x7000, s18;
	_ =	swait.ge @!p1 [sflag:s16], $0x700  }
0x64: {  	p4 =	slt.u32 @!p3 s8, $0x2;
	p2 =	sne.s32 s7, $0x1C000;
	[sflag:s16] =	ssyncset.done @!p1 $0x0  }
0x65: {  	s13 =	sshrl.u32 @!p0 s19, $0x2;
	s19 =	smul.u32 $0x7000, s14;
	[sflag:s16] =	ssyncadd.s32 @!p1 $0xFFFFF900  }
0x66: {  	s21 =	smul.u32 $0xAB, s10;
	s17 =	simm.s32 @!p0 $0x70;
	_ =	swait.ge @!p1 [sflag:s16], $0x700  }
0x67: {  	s13 =	sadd.s32 @!p0 $0xBF00, s13;
	s12 =	sshrl.u32 s19, $0x2;
	[sflag:s16] =	ssyncset.done @!p1 $0x0  }
0x68: {  	s19 =	smul.u32 @!p0 $0x700, s18;
	[sflag:s16] =	ssyncadd.s32 @!p1 $0xFFFFF900;
	s16 =	sadd.s32 @!p0 $0x2, s18  }
0x69: {  	[tilespmem:s13], [sflag:s16] =	stream.indirect.gather @!p0 [hbm4b:s3+s17], $0x40, s26, s17, $0xb8;
	[tilespmem:$0x11300] =	vst v63  }
0x6a: {  	s8 =	sadd.s32 $0x1, s8;
	s22 =	sshrl.u32 s21, $0x9;
	s18 =	sadd.s32 $0x2, s14  }
0x6b: {  	[tilespmem:s19], [sflag:s16] =	stream.indirect.gather @!p0 [hbm4b:s4+s17], $0x10, s6, s17, $0xb8;
	[tilespmem:$0x11300] =	vst v63  }
0x6c: {  	s13 =	sadd.s32 @!p0 $0x5180, s19;
	s26 =	sadd.s32 $0x70, s26;
	s6 =	sadd.s32 $0x70, s6  }
0x6d: {  	[tilespmem:s13], [sflag:s16] =	stream.indirect.gather @!p0 [hbm4b:s5+s17], $0x10, s28, s17, $0xb8;
	[tilespmem:$0x11300] =	vst v63  }
0x6e: {  	p0 =	por p3, p3;
	s28 =	sadd.s32 $0x70, s28;
	_ =	swait.ge [sflag:s18], $0x1C00  }
0x6f: {  	s16 =	smul.u32 $0x700, s14;
	s13 =	sadd.s32 $0xAB, s21;
	[sflag:s18] =	ssyncset.done $0x0  }
0x70: {  	s17 =	sand.u32 $0x7F, s22;
	s13 =	sshrl.u32 s13, $0x9;
	[sflag:s18] =	ssyncadd.s32 $0xFFFFE400  }
0x71: {  	s19 =	smul.u32 $0x3, s17;
	s13 =	sand.u32 $0x7F, s13;
	_ =	swait.ge [sflag:s18], $0x700  }
0x72: {  	p1 =	por p4, p0;
	s22 =	smul.u32 $0x3, s13;
	[sflag:s18] =	ssyncset.done $0x0  }
.Ltmp0:
0x73: {  	s17 =	sadd.s32 $0x5, s14;
	[sflag:s18] =	ssyncadd.s32 $0xFFFFF900;
	(pc) =	sbr.rel @p2 .LBB2_2-.Ltmp0, $4  }
0x74: {  	s13 =	sadd.s32 $0x5180, s16;
	s14 =	ssub.s32 s10, s19;
	_ =	swait.ge [sflag:s18], $0x700  }
0x75: {  	s19 =	sadd.s32 $0xBF00, s12;
	s21 =	rddreg [dreg:$0x6];
	[sflag:s18] =	ssyncset.done $0x0  }
0x76: {  	s10 =	ssub.s32 s10, s22;
	[sflag:s18] =	ssyncadd.s32 $0xFFFFF900;
	s12 =	sadd.s32 s9, s21  }
0x77: {  	[hbm4b:s12+s24] =	stream.strided.scatter [tilespmem:s19], [sflag:s17], $0x1C00, s20, s24, $0x38;
	[tilespmem:$0x11300] =	vst v63  }
0x78: {  	s7 =	sadd.s32 $0x1, s10  }
0x79: {  	s8 =	sadd.s32 $0x8, s12;
	s7 =	sand.u32 $0xFF, s7  }
0x7a: {  	[hbm4b:s8+s29] =	stream.strided.scatter [tilespmem:s16], [sflag:s17], $0x700, s20, s29, $0x38;
	[tilespmem:$0x11300] =	vst v63  }
0x7b: {  	s12 =	sadd.s32 $0xA, s12;
	s9 =	sadd.s32 @!p1 $0x5, s7  }
0x7c: {  	[hbm4b:s12+s29] =	stream.strided.scatter [tilespmem:s13], [sflag:s17], $0x700, s20, s29, $0x38;
	[tilespmem:$0x11300] =	vst v63  }
0x7d: {  	_ =	swait.ge @!p1 [sflag:s9], $0x1C00  }
0x7e: {  	[sflag:s9] =	ssyncset.done @!p1 $0x0  }
0x7f: {  	[sflag:s9] =	ssyncadd.s32 @!p1 $0xFFFFE400  }
0x80: {  	_ =	swait.ge @!p1 [sflag:s9], $0x700  }
0x81: {  	[sflag:s9] =	ssyncset.done @!p1 $0x0  }
0x82: {  	s8 =	smul.u32 @!p0 $0x7000, s7;
	[sflag:s9] =	ssyncadd.s32 @!p1 $0xFFFFF900  }
0x83: {  	s10 =	simm.s32 @!p0 $0x70;
	_ =	swait.ge @!p1 [sflag:s9], $0x700  }
0x84: {  	s12 =	smul.u32 @!p0 $0x700, s7;
	s8 =	sshrl.u32 @!p0 s8, $0x2;
	[sflag:s9] =	ssyncset.done @!p1 $0x0  }
0x85: {  	s7 =	sadd.s32 @!p0 $0x2, s7;
	s8 =	sadd.s32 @!p0 $0xBF00, s8;
	[sflag:s9] =	ssyncadd.s32 @!p1 $0xFFFFF900  }
0x86: {  	[tilespmem:s8], [sflag:s7] =	stream.indirect.gather @!p0 [hbm4b:s3+s10], $0x40, s26, s10, $0xb8;
	[tilespmem:$0x11300] =	vst v63  }
0x87: {  	s16 =	sand.u32 $0xFF, s14  }
0x88: {  	[tilespmem:s12], [sflag:s7] =	stream.indirect.gather @!p0 [hbm4b:s4+s10], $0x10, s6, s10, $0xb8;
	[tilespmem:$0x11300] =	vst v63  }
0x89: {  	s17 =	sadd.s32 $0x2, s16;
	s6 =	sadd.s32 @!p0 $0x5180, s12  }
0x8a: {  	[tilespmem:s6], [sflag:s7] =	stream.indirect.gather @!p0 [hbm4b:s5+s10], $0x10, s28, s10, $0xb8;
	[tilespmem:$0x11300] =	vst v63  }
0x8b: {  	_ =	swait.ge [sflag:s17], $0x1C00  }
0x8c: {  	[sflag:s17] =	ssyncset.done $0x0  }
0x8d: {  	[sflag:s17] =	ssyncadd.s32 $0xFFFFE400  }
0x8e: {  	_ =	swait.ge [sflag:s17], $0x700  }
0x8f: {  	[sflag:s17] =	ssyncset.done $0x0  }
0x90: {  	s18 =	smul.u32 $0x7000, s16;
	[sflag:s17] =	ssyncadd.s32 $0xFFFFF900  }
0x91: {  	s21 =	smul.u32 $0x700, s16;
	s8 =	sadd.s32 $0x5, s16;
	_ =	swait.ge [sflag:s17], $0x700  }
0x92: {  	s6 =	sshrl.u32 s18, $0x2;
	s19 =	rddreg [dreg:$0x6];
	[sflag:s17] =	ssyncset.done $0x0  }
0x93: {  	s6 =	sadd.s32 $0xBF00, s6;
	[sflag:s17] =	ssyncadd.s32 $0xFFFFF900;
	s0 =	sadd.s32 s0, s19  }
0x94: {  	[hbm4b:s0+s24] =	stream.strided.scatter [tilespmem:s6], [sflag:s8], $0x1C00, s20, s24, $0x38;
	[tilespmem:$0x11300] =	vst v63  }
0x95: {  	s22 =	sadd.s32 $0x8, s0  }
0x96: {  	[hbm4b:s22+s29] =	stream.strided.scatter [tilespmem:s21], [sflag:s8], $0x700, s20, s29, $0x38;
	[tilespmem:$0x11300] =	vst v63  }
0x97: {  	s26 =	sadd.s32 $0x5180, s21;
	s0 =	sadd.s32 $0xA, s0  }
0x98: {  	[hbm4b:s0+s29] =	stream.strided.scatter [tilespmem:s26], [sflag:s8], $0x700, s20, s29, $0x38;
	[tilespmem:$0x11300] =	vst v63  }
0x99: {  	_ =	swait.ge [sflag:s30], $0x1C00  }
0x9a: {  	[sflag:s30] =	ssyncset.done $0x0  }
0x9b: {  	[sflag:s30] =	ssyncadd.s32 $0xFFFFE400  }
0x9c: {  	_ =	swait.ge [sflag:s30], $0x700  }
0x9d: {  	[sflag:s30] =	ssyncset.done $0x0  }
0x9e: {  	[sflag:s30] =	ssyncadd.s32 $0xFFFFF900  }
0x9f: {  	_ =	swait.ge [sflag:s30], $0x700  }
0xa0: {  	[sflag:s30] =	ssyncset.done $0x0  }
0xa1: {  	[sflag:s30] =	ssyncadd.s32 $0xFFFFF900  }
0xa2: {  	_ =	swait.ge [sflag:s31], $0x1C00  }
0xa3: {  	[sflag:s31] =	ssyncset.done $0x0  }
0xa4: {  	[sflag:s31] =	ssyncadd.s32 $0xFFFFE400  }
0xa5: {  	_ =	swait.ge [sflag:s31], $0x700  }
0xa6: {  	[sflag:s31] =	ssyncset.done $0x0  }
0xa7: {  	[sflag:s31] =	ssyncadd.s32 $0xFFFFF900  }
0xa8: {  	_ =	swait.ge [sflag:s31], $0x700  }
0xa9: {  	[sflag:s31] =	ssyncset.done $0x0  }
0xaa: {  	[sflag:s31] =	ssyncadd.s32 $0xFFFFF900  }
0xab: {  	_ =	swait.ge [sflag:s23], $0x2000  }
0xac: {  	[sflag:s23] =	ssyncset.done $0x0  }
0xad: {  	[sflag:s23] =	ssyncadd.s32 $0xFFFFE000  }
0xae: {  	_ =	swait.ge [sflag:s23], $0x2000  }
0xaf: {  	s1 =	sadd.s32 $0x1, s1;
	s28 =	rddreg [dreg:$0xd]  }
0xb0: {  	p0 =	sne.s32 s1, s28  }
.Ltmp1:
0xb1: {  	_ = 	snop;
	(pc) =	sbr.rel @p0 .LBB2_1-.Ltmp1, $3  }
0xb2: {  	_ =	sdelay $0x1  }
0xb3: {  	[sflag:s23] =	ssyncset.done $0x0  }
0xb4: {  	[sflag:s23] =	ssyncadd.s32 $0xFFFFE000  }
0xb5: {  	_ =	sfence.sel $0x180000  }
0xb6: {  	[bflag:$0x0] =	sbarrier.arrive $0xFFFF  }
0xb7: {  	_ =	strace $0x90000047  }
0xb8: {  	s0 =	stileid.u32;
	[bflag:$0x2] =	sbarrier.arrive $0xFFFF  }
0xb9: {  	p0 =	sne.s32 s0, $0x0;
	s0 =	rddreg [dreg:$0x5]  }
0xba: {  	s0 =	sadd.s32 @!p0 $0x100000, s0  }
0xbb: {  	[sflag:s0] =	ssyncadd.tile.s32 @!p0 $0x1;
	_ =	shalt  }
.Lfunc_end2:
_tile_overlayer_lowered:
.L_overlay_start_2:
0xbc: {  	(tag) =	ssettag $0x2  }
0xbd: {  	s0 =	rddreg [dreg:$0x0];
	s2 =	stileid.u32  }
0xbe: {  	s1 =	rddreg [dreg:$0x1];
	p0 =	sne.s32 s2, $0x0  }
0xbf: {  	s3 =	rddreg [dreg:$0x2];
	[bflag:$0x3] =	sbarrier.arrive $0xFFFF;
	s2 =	simm.s32 @!p0 $0x1C08  }
0xc0: {  	[timem:s3], [sflag:s2] =	dma.local @!p0 [hbm:s0], s1  }
0xc1: {  	s0 =	simm.s32 @!p0 $0x8  }
0xc2: {  	_ =	swait.ge @!p0 [sflag:s0], s1  }
0xc3: {  	s1 =	ssub.s32 @!p0 $0x0, s1;
	[sflag:s0] =	ssyncset.done @!p0 $0x0  }
0xc4: {  	[sflag:s0] =	ssyncadd.s32 @!p0 s1  }
0xc5: {  	[bflag:$0x3] =	sbarrier.arrive $0xFFFF  }
0xc6: {  	_ =	shalt  }

// kernel: sparse-core-data-format-call.cloned.1.call-start
scs
called_computation_lowered:
.L_overlay_start_0:
0x0: {  	s2 =	sld [smem:$0x3FD9]  }
0x1: {  	s3 =	sld [smem:$0x3FFE];
	_ =	sdelay $0x1  }
0x2: {  	s1 =	srdreg.scid  }
0x3: {  	s0 =	sand.u32 $0x1, s1  }
0x4: {  	s15 =	sshll.u32 s0, $0xA;
	s2 =	sadd.s32 s3, s2  }
0x5: {  	s2 =	sadd.s32 s2, s15  }
0x6: {  	[smem:$0x3FC0] =	sst s2  }
0x7: {  	_ = 	snop  }
0x8: {  	s2 =	sld [smem:$0x3FD0];
	_ =	sdelay $0x2  }
0x9: {  	s16 =	simm.s32 $0xA;
	s4 =	simm.s32 $0x10  }
0xa: {  	[smem:s4], [sflag:s16] =	dma.local [hbm:s2], $0x1  }
0xb: {  	_ =	swait.eq [sflag:s16], $0x1  }
0xc: {  	[sflag:s16] =	ssyncset.done $0x0  }
0xd: {  	[sflag:s16] =	ssyncadd.s32 $0xFFFFFFFF  }
0xe: {  	s17 =	sld [smem:$0x10];
	(tm) =	ssettm $0x1  }
0xf: {  	s18 =	sld [smem:$0x3FFB];
	_ =	sdelay $0x3  }
0x10: {  	_ =	strace s18  }
0x11: {  	s3 =	sld [smem:$0x3FFC];
	_ =	sdelay $0x3  }
0x12: {  	_ =	strace s3  }
0x13: {  	s3 =	sld [smem:$0x3FFD];
	_ =	sdelay $0x3  }
0x14: {  	_ =	strace s3  }
0x15: {  	_ =	strace $0x8FFFFFFF  }
0x16: {  	s19 =	sld [smem:$0x3FDB];
	_ =	sdelay $0x1  }
0x17: {  	s20 =	simm.s32 $_scs_section_size  }
0x18: {  	s5 =	simm.s32 $_size__tile_overlayer_lowered;
	s6 =	simm.s32 $_tile_overlayer_lowered  }
0x19: {  	s23 =	simm.s32 $0x1BFF;
	s22 =	sshll.u32 s6, $0x1;
	s3 =	sadd.s32 s20, s19  }
0x1a: {  	s7 =	simm.s32 $0x0;
	s21 =	sshll.u32 s5, $0x1;
	s5 =	sadd.s32 s22, s3  }
0x1b: {  	[timem:s7], [sflag:s23] =	dma.local [hbm:s5], s21  }
0x1c: {  	_ =	swait.ge [sflag:s23], s21  }
0x1d: {  	s4 =	ssub.s32 $0x0, s21;
	[sflag:s23] =	ssyncset.done $0x0  }
0x1e: {  	[sflag:s23] =	ssyncadd.s32 s4;
	_ =	sdelay $0x1  }
0x1f: {  	s24 =	simm.s32 $0x1B8B  }
0x20: {  	_ =	swait.ge [sflag:s24], $0x1  }
0x21: {  	[sflag:s24] =	ssyncset.done $0x0  }
0x22: {  	s26 =	simm.s32 $0x1B8E;
	s25 =	sld [smem:$0x3FFE];
	[sflag:s24] =	ssyncadd.s32 $0xFFFFFFFF  }
0x23: {  	s27 =	simm.s32 $execute0_lowered;
	[smem:$0x3FD2] =	sst s26  }
0x24: {  	s5 =	sshll.u32 s27, $0x1;
	_ =	strace $0x80000049;
	[dreg:$0x1] =	wrdreg $0xFFFFFFFF  }
0x25: {  	s28 =	simm.s32 $_size_execute0_lowered;
	s3 =	sadd.s32 s3, s5;
	[dreg:$0x0] =	wrdreg $0x0  }
0x26: {  	s5 =	sshll.u32 s28, $0x1;
	[dreg:$0x2] =	wrdreg s3  }
0x27: {  	[dreg:$0x3] =	wrdreg s5  }
0x28: {  	[dreg:$0x4] =	wrdreg $0xC0  }
0x29: {  	_ =	task [dreg:s7], $0x5FFFF  }
0x2a: {  	[dreg:$0x1] =	wrdreg $0xFFFFFFFF  }
0x2b: {  	[dreg:$0x0] =	wrdreg $0x60  }
0x2c: {  	[dreg:$0x2] =	wrdreg s25  }
0x2d: {  	[dreg:$0x3] =	wrdreg s17  }
0x2e: {  	[dreg:$0x4] =	wrdreg $0x9  }
0x2f: {  	_ =	task.clear_ibuf [dreg:s7], $0x5FFFF;
	_ =	strace $0x90000049  }
0x30: {  	s29 =	simm.s32 $0x9;
	_ =	strace $0x8000004B  }
0x31: {  	_ =	swait.ge [sflag:s29], $0x1  }
0x32: {  	[sflag:s29] =	ssyncadd.s32 $0xFFFFFFFF  }
0x33: {  	_ =	strace $0x9000004B  }
0x34: {  	_ =	sfence  }
0x35: {  	s30 =	sld [smem:$0x0];
	_ =	sdelay $0x2  }
0x36: {  	s31 =	sshll.u32 s1, $0xD;
	s1 =	sshrl.u32 s1, $0x2  }
0x37: {  	s3 =	sand.u32 $0x4000, s31;
	s1 =	sadd.s32 s1, s30  }
0x38: {  	s0 =	sor.u32 s3, s0;
	s1 =	sshll.u32 s1, $0x11  }
0x39: {  	s0 =	sor.u32 s1, s0  }
0x3a: {  	s0 =	sadd.s32 $0x8F2B, s0  }
0x3b: {  	[sflag:s0] =	ssyncadd.remote.s32 $0x1  }
0x3c: {  	_ =	sfence.sel $0xFFFF  }
0x3d: {  	[dreg:$0x0] =	wrdreg $0xFFFFFFFF;
	(pc) =	sbr.abs _section_cstart, $3  }
0x3e: {  	[dreg:$0x1] =	wrdreg $0xFFFFFFFF  }
0x3f: {  	_ =	task.clear_ibuf [dreg:s7], $0x2FFFF;
	_ =	strace $0x9FFFFFFF  }
0x40: {  	(tm) =	ssettm $0x7FFFFFFF  }
0x41: {  	_ =	shalt  }
tec
execute0_lowered:
.L_overlay_start_1:
0x0: {  	(tag) =	ssettag $0x1  }
0x1: {  	s0 =	srdreg.scid  }
0x2: {  	s1 =	sshll.u32 s0, $0x4  }
0x3: {  	s6 =	rddreg [dreg:$0x0];
	s0 =	stileid.u32;
	s1 =	sand.u32 $0x10, s1  }
0x4: {  	s3 =	rddreg [dreg:$0x1];
	s1 =	sor.u32 s0, s1  }
0x5: {  	s5 =	simm.s32 $0x1;
	s31 =	simm.s32 $0x2;
	s2 =	sshll.u32 s1, $0x7  }
0x6: {  	s15 =	simm.s32 $0x0;
	s8 =	simm.s32 $0x8000;
	s4 =	ssub.s32 $0x1000, s2  }
0x7: {  	s14 =	simm.s32 $0x0;
	s9 =	simm.s32 $0x0;
	s30 =	sand.u32 $0xF80, s4  }
0x8: {  	s10 =	simm.s32 $0x0;
	s11 =	simm.s32 $0x0;
	p0 =	sne.s32 s30, $0x0  }
.Ltmp0:
0x9: {  	s7 =	sshrl.u32 s4, $0xC;
	s5 =	simm.s32 @!p0 $0x0;
	(pc) =	sbr.rel .LBB1_1-.Ltmp0, $4  }
0xa: {  	s13 =	simm.s32 $0x0;
	s1 =	rddreg [dreg:$0x2];
	s5 =	sadd.s32 s5, s7  }
0xb: {  	_ =	strace $0x8000004A;
	s4 =	simm.s32 $0x1;
	s5 =	smul.u32 $0x32, s5  }
0xc: {  	s6 =	sadd.s32 $0x701000, s6;
	s12 =	smov.u32 s2;
	[sflag:s4] =	ssyncpa.u1 $0x0  }
0xd: {  	[sflag:s31] =	ssyncpa.u1 $0x0;
	p0 =	por $0x0, $0x0;
	s7 =	sor.u32 $0x1, s5  }
.LBB1_4:
0xe: {  	s20 =	sshra.s32 s20, $0x2;
	s28 =	sshll.u32 s10, $0x3;
	p1 =	sgt.s32 s9, $0x31  }
0xf: {  	s21 =	smov.u32 s9;
	s23 =	sshra.s32 s9, $0x1F;
	s24 =	smov.u32 s10  }
0x10: {  	v5 =	vld [tilespmem:s17+$0xFFFFFFD0];
	[tilespmem:s18+$0x2040 ss:$0x81] =	vst.msk $0xffff, v4;
	s25 =	sshra.s32 s10, $0x1F;
	s26 =	sand.u32 $0x78, s10;
	s19 =	sadd.s32 s20, s19  }
0x11: {  	v58 =	vld [tilespmem:s17+$0xFFFFFFE0];
	[tilespmem:s18+$0x2850 ss:$0x81] =	vst.msk $0xffff, v3;
	s22 =	sshrl.u32 s28, $0xC;
	s21 =	simm.s32 @!p1 $0x31;
	s23 =	sand.u32 s23, s9  }
0x12: {  	v59 =	vld [tilespmem:s17+$0xFFFFFFF0];
	[tilespmem:s18+$0x3060 ss:$0x81] =	vst.msk $0xffff, v2;
	p1 =	sgt.s32 s10, $0xF80;
	s29 =	sand.u32 s25, s10;
	s20 =	sand.u32 $0xC00, s28  }
0x13: {  	v60 =	vld [tilespmem:s17+$0x0];
	[tilespmem:s18+$0x0 ss:$0x81] =	vst.msk $0xffff, v0;
	s28 =	smul.u32 $0xC000, s9;
	s21 =	ssub.s32 s21, s23;
	s24 =	simm.s32 @!p1 $0xF80  }
0x14: {  	v61 =	vld [tilespmem:s17+$0x10];
	s30 =	smulhi.u32 $0x2AAAAAB, s22;
	[tilespmem:s19+$0x3870 ss:$0x81] =	vst.msk $0xffff, v1;
	s20 =	sor.u32 s26, s20;
	s31 =	ssub.s32 $0x32, s21  }
0x15: {  	v62 =	vld [tilespmem:s17+$0x20];
	s23 =	ssub.s32 s24, s29;
	s21 =	sadd.s32 $0xFFFFFFCF, s21;
	s25 =	smul.u32 $0x60, s31;
	[tilespmem:s19+$0x810 ss:$0x81] =	vst.msk $0xffff, v5  }
0x16: {  	v63 =	vld [tilespmem:s17+$0xFFFFFFC0];
	s18 =	smul.u32 $0x60, s30;
	p1 =	sgt.s32 s21, $0x0;
	s27 =	sadd.s32 $0xFFFFF080, s23;
	[tilespmem:s19+$0x1020 ss:$0x81] =	vst.msk $0xffff, v58  }
0x17: {  	s17 =	ssub.s32 $0x1000, s23;
	[tilespmem:s19+$0x1830 ss:$0x81] =	vst.msk $0xffff, v59;
	s25 =	simm.s32 @p1 $0x0;
	p1 =	sgt.s32 s27, $0x7F  }
0x18: {  	s29 =	sand.u32 $0x7, s10;
	[tilespmem:s19+$0x2040 ss:$0x81] =	vst.msk $0xffff, v60;
	s18 =	ssub.s32 s22, s18;
	s17 =	simm.s32 @p1 $0x0  }
0x19: {  	s21 =	sadd.s32 s3, s28;
	[tilespmem:s19+$0x2850 ss:$0x81] =	vst.msk $0xffff, v61;
	s18 =	sshll.u32 s18, $0x9;
	s17 =	smul.u32 s17, s25  }
0x1a: {  	s20 =	sshrl.u32 s20, $0x3;
	s30 =	sshll.u32 s29, $0x12;
	[tilespmem:s19+$0x3060 ss:$0x81] =	vst.msk $0xffff, v62;
	s18 =	sadd.s32 s18, s21  }
0x1b: {  	[tilespmem:s19+$0x0 ss:$0x81] =	vst.msk $0xffff, v63;
	s31 =	sor.u32 $0x400, s30;
	s18 =	sadd.s32 s20, s18;
	s17 =	sand.u32 $0x3FFFFFE0, s17  }
0x1c: {  	[hbm4b:s18+s31] =	stream.strided.scatter [tilespmem:s16], [sflag:$0x2], s17, s8, s31, $0x20;
	[tilespmem:$0x10100] =	vst v63  }
.LBB1_5:
0x1d: {  	p1 =	slt.u32 s13, $0x2  }
0x1e: {  	s17 =	smov.u32 s15;
	p2 =	sgt.s32 @!p1 s15, $0x31;
	s16 =	sshra.s32 @!p1 s15, $0x1F  }
0x1f: {  	p3 =	sgt.s32 @!p1 s14, $0xF80;
	s18 =	sshra.s32 @!p1 s14, $0x1F;
	p2 =	por !p2, p1  }
0x20: {  	s15 =	sand.u32 @!p1 s16, s15;
	p3 =	por !p3, p1;
	s16 =	smov.u32 s14  }
0x21: {  	s14 =	sand.u32 @!p1 s18, s14;
	s17 =	simm.s32 @p2 $0x31;
	s16 =	simm.s32 @p3 $0xF80  }
0x22: {  	s18 =	smov.u32 s12;
	s15 =	ssub.s32 @!p1 s17, s15;
	s14 =	ssub.s32 @!p1 s16, s14  }
0x23: {  	s16 =	sadd.s32 @!p1 $0xFFFFFFCF, s15;
	s15 =	ssub.s32 @!p1 $0x32, s15;
	s17 =	sadd.s32 @!p1 $0xFFFFF080, s14  }
0x24: {  	p2 =	sgt.s32 @!p1 s16, $0x0;
	s15 =	smul.u32 @!p1 $0x60, s15;
	p3 =	sgt.s32 @!p1 s17, $0x7F  }
0x25: {  	s14 =	ssub.s32 @!p1 $0x1000, s14;
	p2 =	por !p2, p1;
	p3 =	por !p3, p1  }
0x26: {  	s16 =	sadd.s32 $0x1, s11;
	s15 =	simm.s32 @!p2 $0x0;
	s14 =	simm.s32 @!p3 $0x0  }
0x27: {  	p2 =	sgt.s32 s16, $0x31;
	s14 =	smul.u32 @!p1 s14, s15;
	s15 =	sadd.s32 $0x1000, s12  }
0x28: {  	s18 =	smov.u32 @p2 s15  }
0x29: {  	s16 =	simm.s32 @p2 $0x0;
	p2 =	sgt.s32 s18, $0xFFF  }
0x2a: {  	s18 =	smov.u32 @p2 s2;
	p2 =	sne.s32 s13, s7  }
.Ltmp1:
0x2b: {  	p0 =	por !p0, !p0;
	s17 =	simm.s32 @!p1 $0x2;
	(pc) =	sbr.rel @!p2 .LBB1_6-.Ltmp1, $4  }
0x2c: {  	s15 =	smov.u32 s9;
	s9 =	smov.u32 s11;
	s14 =	sand.u32 @!p1 $0x3FFFFFE0, s14  }
0x2d: {  	s11 =	smov.u32 s16;
	_ =	swait.ge @!p1 [sflag:s17], s14;
	s19 =	ssub.s32 @!p1 $0x0, s14  }
0x2e: {  	s14 =	smov.u32 s10;
	s13 =	sadd.s32 $0x1, s13;
	[sflag:s17] =	ssyncset.done @!p1 $0x0  }
0x2f: {  	s10 =	smov.u32 s12;
	s12 =	smov.u32 s18;
	[sflag:s17] =	ssyncadd.s32 @!p1 s19  }
.LBB1_1:
0x30: {  	p1 =	sge.u32 s13, s5  }
0x31: {  	s16 =	sand.u32 @!p1 $0x1FFFFFF, s11  }
0x32: {  	s17 =	smulhi.u32 @!p1 $0x4924925, s16;
	_ =	sdelay $0x1  }
0x33: {  	s17 =	smul.u32 @!p1 $0x38, s17  }
0x34: {  	s18 =	sxor.u32 @!p1 $0xFFFFFFFF, s13;
	s19 =	smul.u32 @!p1 $0x380, s12  }
0x35: {  	s31 =	sadd.s32 $0xFFFFFFFF, s13;
	s18 =	sshll.u32 @!p1 s18, $0xE;
	s16 =	ssub.s32 @!p1 s16, s17  }
0x36: {  	s17 =	sand.u32 @!p1 $0x4000, s18;
	s18 =	sadd.s32 @!p1 s6, s19;
	s16 =	sshll.u32 @!p1 s16, $0x4  }
0x37: {  	s19 =	simm.s32 @!p1 $0x1C00;
	s16 =	sadd.s32 @!p1 s16, s18;
	s18 =	simm.s32 @!p1 $0x80  }
0x38: {  	[tilespmem:s17], [sflag:$0x1] =	stream.strided.gather @!p1 [hbm4b:s16+s18], $0x4000, s19, s18, $0x38;
	[tilespmem:$0x10100] =	vst v63  }
0x39: {  	p1 =	sge.u32 s31, s5  }
.Ltmp2:
0x3a: {  	_ = 	snop;
	(pc) =	sbr.rel @p1 .LBB1_5-.Ltmp2, $1  }
0x3b: {  	_ =	sdelay $0x3  }
0x3c: {  	s16 =	simm.s32 $0x1  }
0x3d: {  	_ =	swait.ge [sflag:s4], $0x4000;
	s16 =	simm.s32 @!p0 $0x0  }
0x3e: {  	[sflag:s4] =	ssyncset.done $0x0;
	s17 =	sshll.u32 s16, $0xE  }
0x3f: {  	[sflag:s4] =	ssyncadd.s32 $0xFFFFC000;
	s17 =	sor.u32 $0x40, s17  }
0x40: {  	s16 =	smul.u32 $0x10200, s16;
	v0 =	vld [tilespmem:s17+$0x30]  }
0x41: {  	v1 =	vld [tilespmem:s17+$0xFFFFFFD0]  }
0x42: {  	s16 =	sshrl.u32 s16, $0x2;
	v5 =	vld [tilespmem:s17+$0xFFFFFFE0]  }
0x43: {  	v6 =	vld [tilespmem:s17+$0xFFFFFFF0];
	s19 =	sor.u32 $0x8000, s16  }
0x44: {  	s31 =	sand.u32 $0x1, s13;
	v4 =	vld [tilespmem:s17+$0x0];
	s18 =	sadd.s32 $0x0, s19  }
0x45: {  	v3 =	vld [tilespmem:s17+$0x10];
	s16 =	smul.u32 $0x10200, s31;
	[tilespmem:s18+$0x3870 ss:$0x81] =	vst.msk $0xffff, v0  }
0x46: {  	v2 =	vld [tilespmem:s17+$0x20];
	[tilespmem:s18+$0x810 ss:$0x81] =	vst.msk $0xffff, v1  }
0x47: {  	s16 =	sshrl.u32 s16, $0x2;
	v0 =	vld [tilespmem:s17+$0xFFFFFFC0];
	[tilespmem:s18+$0x1020 ss:$0x81] =	vst.msk $0xffff, v5;
	s17 =	sadd.s32 $0x80, s17  }
0x48: {  	s20 =	simm.s32 $0x4;
	s21 =	simm.s32 $0x8;
	s16 =	sor.u32 $0x8000, s16;
	[tilespmem:s18+$0x1830 ss:$0x81] =	vst.msk $0xffff, v6;
	v1 =	vld [tilespmem:s17+$0x30]  }
.LBB1_3:
0x49: {  	p1 =	sne.s32 s21, $0x1FC;
	v5 =	vld [tilespmem:s17+$0xFFFFFFD0];
	[tilespmem:s18+$0x2040 ss:$0x81] =	vst.msk $0xffff, v4  }
0x4a: {  	v6 =	vld [tilespmem:s17+$0xFFFFFFE0];
	[tilespmem:s18+$0x2850 ss:$0x81] =	vst.msk $0xffff, v3  }
0x4b: {  	s22 =	sshra.s32 s20, $0x2;
	s20 =	smov.u32 s21;
	v7 =	vld [tilespmem:s17+$0xFFFFFFF0];
	[tilespmem:s18+$0x3060 ss:$0x81] =	vst.msk $0xffff, v2  }
.Ltmp3:
0x4c: {  	v4 =	vld [tilespmem:s17+$0x0];
	[tilespmem:s18+$0x0 ss:$0x81] =	vst.msk $0xffff, v0;
	s18 =	sadd.s32 s22, s19;
	(pc) =	sbr.rel @p1 .LBB1_3-.Ltmp3, $4  }
0x4d: {  	v3 =	vld [tilespmem:s17+$0x10];
	[tilespmem:s18+$0x3870 ss:$0x81] =	vst.msk $0xffff, v1  }
0x4e: {  	[tilespmem:s18+$0x810 ss:$0x81] =	vst.msk $0xffff, v5;
	v2 =	vld [tilespmem:s17+$0x20]  }
0x4f: {  	v0 =	vld [tilespmem:s17+$0xFFFFFFC0];
	[tilespmem:s18+$0x1020 ss:$0x81] =	vst.msk $0xffff, v6;
	s17 =	sadd.s32 $0x80, s17  }
0x50: {  	s21 =	sadd.s32 $0x4, s21;
	v1 =	vld [tilespmem:s17+$0x30];
	[tilespmem:s18+$0x1830 ss:$0x81] =	vst.msk $0xffff, v7  }
.Ltmp4:
0x51: {  	_ = 	snop;
	(pc) =	sbr.rel .LBB1_4-.Ltmp4, $1  }
0x52: {  	_ =	sdelay $0x3  }
.LBB1_6:
0x53: {  	_ =	sfence.sel $0x180000  }
0x54: {  	s2 =	simm.s32 $0x1;
	[bflag:$0x0] =	sbarrier.arrive $0xFFFF  }
0x55: {  	s31 =	simm.s32 $0x2;
	[sflag:s2] =	ssyncpa.u1 $0x1  }
0x56: {  	[sflag:s31] =	ssyncpa.u1 $0x1  }
0x57: {  	p0 =	sne.s32 s0, $0x0;
	_ =	strace $0x9000004A  }
0x58: {  	s0 =	sadd.s32 @!p0 $0x100000, s1;
	[bflag:$0x2] =	sbarrier.arrive $0xFFFF  }
0x59: {  	[sflag:s0] =	ssyncadd.tile.s32 @!p0 $0x1;
	_ =	shalt  }
.Lfunc_end1:
_tile_overlayer_lowered:
.L_overlay_start_2:
0x5a: {  	(tag) =	ssettag $0x2  }
0x5b: {  	s0 =	rddreg [dreg:$0x0];
	s2 =	stileid.u32  }
0x5c: {  	s1 =	rddreg [dreg:$0x1];
	p0 =	sne.s32 s2, $0x0  }
0x5d: {  	s3 =	rddreg [dreg:$0x2];
	[bflag:$0x3] =	sbarrier.arrive $0xFFFF;
	s2 =	simm.s32 @!p0 $0x1C01  }
0x5e: {  	[timem:s3], [sflag:s2] =	dma.local @!p0 [hbm:s0], s1  }
0x5f: {  	s0 =	simm.s32 @!p0 $0x1  }
0x60: {  	_ =	swait.ge @!p0 [sflag:s0], s1  }
0x61: {  	s1 =	ssub.s32 @!p0 $0x0, s1;
	[sflag:s0] =	ssyncset.done @!p0 $0x0  }
0x62: {  	[sflag:s0] =	ssyncadd.s32 @!p0 s1  }
0x63: {  	[bflag:$0x3] =	sbarrier.arrive $0xFFFF  }
0x64: {  	_ =	shalt  }

</sc_bundles>
